<compile_context>
chip_gen: v7x
topology: tpu7x:2x2x1
jax: 0.10.2.dev20260603
libtpu: 0.0.44.dev20260713+nightly
codegen_flags: <defaults>
</compile_context>

<pallas_src>
import functools

import jax
import jax.numpy as jnp
from jax import lax
from jax.experimental import pallas as pl
from jax.experimental.pallas import tpu as pltpu
from jax.experimental.pallas import tpu_sc as plsc

N = 10000
E = 320000
D = 128

NC = 2
NS = 16
NW = NC * NS
EPW = E // NW
CH = 80
NCHUNK = EPW // CH
RCH = 80
NRCH = N // RCH


def _sc_aggregate(x, src, dst3, zeros_nd):
  mesh = plsc.VectorSubcoreMesh(core_axis_name="c", subcore_axis_name="s")

  @functools.partial(
      pl.kernel,
      out_type=jax.ShapeDtypeStruct((NC * N, D), jnp.float32),
      mesh=mesh,
      scratch_types=[
          pltpu.VMEM((CH,), jnp.int32),
          pltpu.VMEM((CH,), jnp.int32),
          pltpu.VMEM((NCHUNK, CH), jnp.int32),
          pltpu.VMEM((CH, D), jnp.float32),
          pltpu.VMEM((CH, D), jnp.float32),
          pltpu.VMEM_SHARED((N, D), jnp.float32),
          pltpu.SemaphoreType.DMA,
          pltpu.SemaphoreType.DMA,
          pltpu.SemaphoreType.DMA,
          pltpu.SemaphoreType.DMA,
      ],
  )
  def body(x_hbm, src_hbm, dst_hbm, znd_hbm, agg_hbm,
           src_ia, src_ib, dsts_v, rows_a, rows_b, agg_sh,
           sem_a, sem_b, sem_ia, sem_ib):
    c = lax.axis_index("c")
    s = lax.axis_index("s")
    wid = s * NC + c

    pltpu.sync_copy(dst_hbm.at[wid], dsts_v)

    pltpu.sync_copy(znd_hbm, rows_b)
    nch = 7 + jnp.where(s < NRCH - 7 * NS, 1, 0)

    def init_chunk(k, carry):
      pltpu.sync_copy(rows_b, agg_sh.at[pl.ds((s + k * NS) * RCH, RCH)])
      return carry

    lax.fori_loop(0, nch, init_chunk, 0)
    plsc.subcore_barrier()

    base0 = wid * EPW

    def fetch_src(ci, idx_v, sem):
      pltpu.async_copy(src_hbm.at[pl.ds(base0 + ci * CH, CH)], idx_v, sem)

    def wait_src(idx_v, sem):
      pltpu.make_async_copy(src_hbm.at[pl.ds(base0, CH)], idx_v, sem).wait()

    def gather(idx_v, rows, sem):
      pltpu.async_copy(x_hbm.at[idx_v], rows, sem)

    def wait_gather(idx_v, rows, sem):
      pltpu.make_async_copy(x_hbm.at[idx_v], rows, sem).wait()

    def scatter(ci, rows):
      pltpu.sync_copy(rows, agg_sh.at[dsts_v.at[ci]], add=True)

    pltpu.sync_copy(src_hbm.at[pl.ds(base0, CH)], src_ia)
    gather(src_ia, rows_a, sem_a)
    fetch_src(1, src_ib, sem_ib)

    def pair_body(j, carry):
      c0 = 2 * j
      wait_gather(src_ia, rows_a, sem_a)
      wait_src(src_ib, sem_ib)
      gather(src_ib, rows_b, sem_b)
      fetch_src(c0 + 2, src_ia, sem_ia)
      scatter(c0, rows_a)
      wait_gather(src_ib, rows_b, sem_b)
      wait_src(src_ia, sem_ia)
      gather(src_ia, rows_a, sem_a)
      fetch_src(jnp.minimum(c0 + 3, NCHUNK - 1), src_ib, sem_ib)
      scatter(c0 + 1, rows_b)
      return carry

    lax.fori_loop(0, (NCHUNK - 1) // 2, pair_body, 0)
    wait_gather(src_ia, rows_a, sem_a)
    scatter(NCHUNK - 1, rows_a)
    wait_src(src_ib, sem_ib)
    plsc.subcore_barrier()

    def pub_chunk(k, carry):
      r = (s + k * NS) * RCH
      pltpu.sync_copy(agg_sh.at[pl.ds(r, RCH)], rows_a)
      pltpu.sync_copy(rows_a, agg_hbm.at[pl.ds(c * N + r, RCH)])
      return carry

    lax.fori_loop(0, nch, pub_chunk, 0)

  return body(x, src, dst3, zeros_nd)


EC = 16000


def _tc_degree(dst_col):
  def body(d_ref, o_ref):
    i = pl.program_id(0)
    d = d_ref[...]
    lanes = lax.broadcasted_iota(jnp.int32, (1, 128), 1)
    hi_oh = (lax.shift_right_logical(d, 7) == lanes).astype(jnp.bfloat16)
    lo_oh = (lax.bitwise_and(d, 127) == lanes).astype(jnp.bfloat16)
    part = lax.dot_general(hi_oh, lo_oh, (((0,), (0,)), ((), ())),
                           preferred_element_type=jnp.float32)

    @pl.when(i == 0)
    def _first():
      o_ref[...] = part

    @pl.when(i > 0)
    def _rest():
      o_ref[...] += part

  return pl.pallas_call(
      body,
      grid=(E // EC,),
      in_specs=[pl.BlockSpec((EC, 1), lambda i: (i, 0))],
      out_specs=pl.BlockSpec((128, 128), lambda i: (0, 0)),
      out_shape=jax.ShapeDtypeStruct((128, 128), jnp.float32),
  )(dst_col)


BR = 1000


def _tc_combine(x, agg0, agg1, deg_col, W_self, W_neigh, b_self, b_neigh):
  def body(x_ref, a0_ref, a1_ref, d_ref, ws_ref, wn_ref,
           bs_ref, bn_ref, o_ref):
    deg = jnp.maximum(d_ref[...], 1.0)
    agg = (a0_ref[...] + a1_ref[...]) / deg
    h = lax.dot_general(x_ref[...], ws_ref[...], (((1,), (1,)), ((), ())),
                        preferred_element_type=jnp.float32)
    h = h + lax.dot_general(agg, wn_ref[...], (((1,), (1,)), ((), ())),
                            preferred_element_type=jnp.float32)
    h = h + bs_ref[...] + bn_ref[...]
    o_ref[...] = jnp.maximum(h, 0.0)

  row_blk = lambda i: (i, 0)
  fixed = lambda i: (0, 0)
  return pl.pallas_call(
      body,
      grid=(N // BR,),
      in_specs=[
          pl.BlockSpec((BR, D), row_blk),
          pl.BlockSpec((BR, D), row_blk),
          pl.BlockSpec((BR, D), row_blk),
          pl.BlockSpec((BR, 1), row_blk),
          pl.BlockSpec((D, D), fixed),
          pl.BlockSpec((D, D), fixed),
          pl.BlockSpec((1, D), fixed),
          pl.BlockSpec((1, D), fixed),
      ],
      out_specs=pl.BlockSpec((BR, D), row_blk),
      out_shape=jax.ShapeDtypeStruct((N, D), jnp.float32),
  )(x, agg0, agg1, deg_col, W_self, W_neigh,
    b_self[None, :], b_neigh[None, :])


def kernel(x, edge_index, W_self, b_self, W_neigh, b_neigh):
  src = edge_index[0]
  dst = edge_index[1]
  dst3 = dst.reshape(NW, NCHUNK, CH)
  zeros_nd = jnp.zeros((RCH, D), jnp.float32)
  degfold = _tc_degree(dst[:, None])
  deg_col = degfold.reshape(-1)[:N][:, None]
  agg_parts = _sc_aggregate(x, src, dst3, zeros_nd)
  return _tc_combine(x, agg_parts[:N], agg_parts[N:], deg_col,
                     W_self, W_neigh, b_self, b_neigh)

# --- scband reference (transcript-rebuilt; emitter-appended) ---
"""Pipeline reference for scband-graph-sagelayer-3384434229646 (READ-ONLY COPY).

The authoritative reference and input builder live on the scoring server;
editing this copy changes nothing except your own understanding.
"""

import jax, jax.numpy as jnp
import numpy as np

N_NODES = 10000
N_EDGES = 320000
D = 128


def setup_inputs(seed: int = 0) -> dict:
    key = jax.random.key(seed)
    ks = jax.random.split(key, 6)
    x = jax.random.normal(ks[0], (N_NODES, D), dtype=jnp.float32)
    edge_index = jax.random.randint(ks[1], (2, N_EDGES), 0, N_NODES, dtype=jnp.int32)
    # Linear layer params, torch nn.Linear layout: W [out_dim, in_dim], b [out_dim]
    bound = 1.0 / np.sqrt(D)
    W_self = jax.random.uniform(ks[2], (D, D), dtype=jnp.float32, minval=-bound, maxval=bound)
    b_self = jax.random.uniform(ks[3], (D,), dtype=jnp.float32, minval=-bound, maxval=bound)
    W_neigh = jax.random.uniform(ks[4], (D, D), dtype=jnp.float32, minval=-bound, maxval=bound)
    b_neigh = jax.random.uniform(ks[5], (D,), dtype=jnp.float32, minval=-bound, maxval=bound)
    return {"x": x, "edge_index": edge_index, "W_self": W_self, "b_self": b_self, "W_neigh": W_neigh, "b_neigh": b_neigh}


def reference(x, edge_index, W_self, b_self, W_neigh, b_neigh):
    src = edge_index[0]
    dst = edge_index[1]
    # agg.index_add_(0, dst, x[src])  -> gather + segment scatter-add
    msgs = jnp.take(x, src, axis=0)
    agg = jax.ops.segment_sum(msgs, dst, num_segments=N_NODES)
    # deg = bincount(dst, minlength=N).clamp_min(1)
    deg = jnp.bincount(dst, length=N_NODES)
    deg = jnp.maximum(deg, 1).astype(x.dtype)[:, None]
    agg = agg / deg
    h = x @ W_self.T + b_self + agg @ W_neigh.T + b_neigh
    h = jax.nn.relu(h)
    # dropout is identity at inference
    return h

if __name__ == "__main__":
    import jax
    _d = setup_inputs()
    print(jax.jit(kernel)(*tuple(_d.values())))

</pallas_src>

<mosaic_0001>
#map = affine_map<(d0, d1) -> (0, 0)>
#map1 = affine_map<(d0, d1) -> (0)>
#map2 = affine_map<(d0, d1) -> (0, 0, 0)>
module attributes {stable_mosaic.version = 14 : i64} {
  func.func @body(%arg0: i32, %arg1: i32, %arg2: memref<10000x128xf32, #tpu.memory_space<hbm>>, %arg3: memref<320000xi32, #tpu.memory_space<hbm>>, %arg4: memref<32x125x80xi32, #tpu.memory_space<hbm>>, %arg5: memref<80x128xf32, #tpu.memory_space<hbm>>, %arg6: memref<20000x128xf32, #tpu.memory_space<hbm>>, %arg7: memref<80xi32, #tpu.memory_space<vmem>>, %arg8: memref<80xi32, #tpu.memory_space<vmem>>, %arg9: memref<125x80xi32, #tpu.memory_space<vmem>>, %arg10: memref<80x128xf32, #tpu.memory_space<vmem>>, %arg11: memref<80x128xf32, #tpu.memory_space<vmem>>, %arg12: memref<10000x128xf32, #tpu.memory_space<vmem_shared>>, %arg13: memref<!tpu.dma_semaphore, #tpu.memory_space<semaphore_mem>>, %arg14: memref<!tpu.dma_semaphore, #tpu.memory_space<semaphore_mem>>, %arg15: memref<!tpu.dma_semaphore, #tpu.memory_space<semaphore_mem>>, %arg16: memref<!tpu.dma_semaphore, #tpu.memory_space<semaphore_mem>>) attributes {dimension_semantics = [#tpu.dimension_semantics<core_parallel>, #tpu.dimension_semantics<subcore_parallel>], iteration_bounds = array<i64: 2, 16>, scalar_prefetch = 0 : i64, scratch_operands = 10 : i64, tpu.core_type = #tpu.core_type<sc_vector_subcore>, window_params = [{transform_indices = #map}, {transform_indices = #map1}, {transform_indices = #map2}, {transform_indices = #map}, {transform_indices = #map}]} {
    %mul3A = arith.constant 2 : i32
    %mul3A_0 = arith.muli %arg1, %mul3A : i32
    %add3A = arith.addi %mul3A_0, %arg0 : i32
    "tpu.region"() ({
      %run_scoped3A_42 = tpu.sem_alloc : memref<!tpu.dma_semaphore, #tpu.memory_space<semaphore_mem>>
      %dma_start3A_43 = arith.constant 0 : i32
      %dma_start3A_44 = arith.constant 0 : i32
      %dma_start3A_45 = tpu.memref_slice %arg4[%add3A, %dma_start3A_43, %dma_start3A_44] : memref<32x125x80xi32, #tpu.memory_space<hbm>> -> memref<1x125x80xi32, #tpu.memory_space<hbm>>
      %dma_start3A_46 = tpu.memref_squeeze %dma_start3A_45 : memref<1x125x80xi32, #tpu.memory_space<hbm>> -> memref<125x80xi32, #tpu.memory_space<hbm>>
      %dma_start3A_47 = arith.constant 0 : i32
      %dma_start3A_48 = arith.constant 0 : i32
      %dma_start3A_49 = tpu.memref_slice %arg4[%add3A, %dma_start3A_47, %dma_start3A_48] : memref<32x125x80xi32, #tpu.memory_space<hbm>> -> memref<1x125x80xi32, #tpu.memory_space<hbm>>
      %dma_start3A_50 = tpu.memref_squeeze %dma_start3A_49 : memref<1x125x80xi32, #tpu.memory_space<hbm>> -> memref<125x80xi32, #tpu.memory_space<hbm>>
      tpu.enqueue_dma source(%dma_start3A_50 : memref<125x80xi32, #tpu.memory_space<hbm>>) target(%arg9 : memref<125x80xi32, #tpu.memory_space<vmem>>) target_semaphore(%run_scoped3A_42 : memref<!tpu.dma_semaphore, #tpu.memory_space<semaphore_mem>>)
      %dma_wait3A_51 = arith.constant 0 : i32
      %dma_wait3A_52 = arith.constant 0 : i32
      %dma_wait3A_53 = tpu.memref_slice %arg4[%add3A, %dma_wait3A_51, %dma_wait3A_52] : memref<32x125x80xi32, #tpu.memory_space<hbm>> -> memref<1x125x80xi32, #tpu.memory_space<hbm>>
      %dma_wait3A_54 = tpu.memref_squeeze %dma_wait3A_53 : memref<1x125x80xi32, #tpu.memory_space<hbm>> -> memref<125x80xi32, #tpu.memory_space<hbm>>
      %dma_wait3A_55 = arith.constant 0 : i32
      %dma_wait3A_56 = arith.constant 0 : i32
      %dma_wait3A_57 = tpu.memref_slice %arg4[%add3A, %dma_wait3A_55, %dma_wait3A_56] : memref<32x125x80xi32, #tpu.memory_space<hbm>> -> memref<1x125x80xi32, #tpu.memory_space<hbm>>
      %dma_wait3A_58 = tpu.memref_squeeze %dma_wait3A_57 : memref<1x125x80xi32, #tpu.memory_space<hbm>> -> memref<125x80xi32, #tpu.memory_space<hbm>>
      tpu.wait_dma2 semaphore(%run_scoped3A_42 : memref<!tpu.dma_semaphore, #tpu.memory_space<semaphore_mem>>) src(%dma_wait3A_58 : memref<125x80xi32, #tpu.memory_space<hbm>>) dst(%arg9 : memref<125x80xi32, #tpu.memory_space<vmem>>)
      tpu.yield
    }) : () -> ()
    "tpu.region"() ({
      %run_scoped3A_42 = tpu.sem_alloc : memref<!tpu.dma_semaphore, #tpu.memory_space<semaphore_mem>>
      tpu.enqueue_dma source(%arg5 : memref<80x128xf32, #tpu.memory_space<hbm>>) target(%arg11 : memref<80x128xf32, #tpu.memory_space<vmem>>) target_semaphore(%run_scoped3A_42 : memref<!tpu.dma_semaphore, #tpu.memory_space<semaphore_mem>>)
      tpu.wait_dma2 semaphore(%run_scoped3A_42 : memref<!tpu.dma_semaphore, #tpu.memory_space<semaphore_mem>>) src(%arg5 : memref<80x128xf32, #tpu.memory_space<hbm>>) dst(%arg11 : memref<80x128xf32, #tpu.memory_space<vmem>>)
      tpu.yield
    }) : () -> ()
    %lt3A = arith.constant 13 : i32
    %lt3A_1 = arith.cmpi slt, %arg1, %lt3A : i32
    %jit3A = arith.constant 1 : i32
    %jit3A_2 = arith.constant 0 : i32
    %select_n3A = arith.select %lt3A_1, %jit3A, %jit3A_2 : i32
    %add3A_3 = arith.constant 7 : i32
    %add3A_4 = arith.addi %add3A_3, %select_n3A : i32
    %while3A = arith.constant 0 : i32
    %while3A_5 = arith.constant 0 : i32
    %while3A_6 = arith.subi %add3A_4, %while3A_5 : i32
    %while3A_7 = arith.addi %while3A_5, %while3A_6 : i32
    %while3A_8 = arith.constant 1 : i32
    %while3A_9 = arith.divsi %while3A_6, %while3A_8 : i32
    %while3A_10 = arith.muli %while3A_9, %while3A_8 : i32
    %while3A_11 = arith.addi %while3A_5, %while3A_10 : i32
    %while3A_12 = arith.constant 1 : i32
    scf.for %while3A_42 = %while3A_5 to %while3A_11 step %while3A_12  : i32 {
      %mul3A_43 = arith.constant 16 : i32
      %mul3A_44 = arith.muli %while3A_42, %mul3A_43 : i32
      %add3A_45 = arith.addi %arg1, %mul3A_44 : i32
      %mul3A_46 = arith.constant 80 : i32
      %mul3A_47 = arith.muli %add3A_45, %mul3A_46 : i32
      "tpu.region"() ({
        %run_scoped3A_48 = tpu.sem_alloc : memref<!tpu.dma_semaphore, #tpu.memory_space<semaphore_mem>>
        %dma_start3A_49 = arith.constant 0 : i32
        %dma_start3A_50 = tpu.memref_slice %arg12[%mul3A_47, %dma_start3A_49] : memref<10000x128xf32, #tpu.memory_space<vmem_shared>> -> memref<80x128xf32, #tpu.memory_space<vmem_shared>>
        %dma_start3A_51 = arith.constant 0 : i32
        %dma_start3A_52 = tpu.memref_slice %arg12[%mul3A_47, %dma_start3A_51] : memref<10000x128xf32, #tpu.memory_space<vmem_shared>> -> memref<80x128xf32, #tpu.memory_space<vmem_shared>>
        tpu.enqueue_dma source(%arg11 : memref<80x128xf32, #tpu.memory_space<vmem>>) target(%dma_start3A_52 : memref<80x128xf32, #tpu.memory_space<vmem_shared>>) target_semaphore(%run_scoped3A_48 : memref<!tpu.dma_semaphore, #tpu.memory_space<semaphore_mem>>)
        %dma_wait3A_53 = arith.constant 0 : i32
        %dma_wait3A_54 = tpu.memref_slice %arg12[%mul3A_47, %dma_wait3A_53] : memref<10000x128xf32, #tpu.memory_space<vmem_shared>> -> memref<80x128xf32, #tpu.memory_space<vmem_shared>>
        %dma_wait3A_55 = arith.constant 0 : i32
        %dma_wait3A_56 = tpu.memref_slice %arg12[%mul3A_47, %dma_wait3A_55] : memref<10000x128xf32, #tpu.memory_space<vmem_shared>> -> memref<80x128xf32, #tpu.memory_space<vmem_shared>>
        tpu.wait_dma2 semaphore(%run_scoped3A_48 : memref<!tpu.dma_semaphore, #tpu.memory_space<semaphore_mem>>) src(%arg11 : memref<80x128xf32, #tpu.memory_space<vmem>>) dst(%dma_wait3A_56 : memref<80x128xf32, #tpu.memory_space<vmem_shared>>)
        tpu.yield
      }) : () -> ()
    }
    %while3A_13 = arith.constant 1 : i32
    scf.for %while3A_42 = %while3A_11 to %while3A_7 step %while3A_13  : i32 {
      %mul3A_43 = arith.constant 16 : i32
      %mul3A_44 = arith.muli %while3A_42, %mul3A_43 : i32
      %add3A_45 = arith.addi %arg1, %mul3A_44 : i32
      %mul3A_46 = arith.constant 80 : i32
      %mul3A_47 = arith.muli %add3A_45, %mul3A_46 : i32
      "tpu.region"() ({
        %run_scoped3A_48 = tpu.sem_alloc : memref<!tpu.dma_semaphore, #tpu.memory_space<semaphore_mem>>
        %dma_start3A_49 = arith.constant 0 : i32
        %dma_start3A_50 = tpu.memref_slice %arg12[%mul3A_47, %dma_start3A_49] : memref<10000x128xf32, #tpu.memory_space<vmem_shared>> -> memref<80x128xf32, #tpu.memory_space<vmem_shared>>
        %dma_start3A_51 = arith.constant 0 : i32
        %dma_start3A_52 = tpu.memref_slice %arg12[%mul3A_47, %dma_start3A_51] : memref<10000x128xf32, #tpu.memory_space<vmem_shared>> -> memref<80x128xf32, #tpu.memory_space<vmem_shared>>
        tpu.enqueue_dma source(%arg11 : memref<80x128xf32, #tpu.memory_space<vmem>>) target(%dma_start3A_52 : memref<80x128xf32, #tpu.memory_space<vmem_shared>>) target_semaphore(%run_scoped3A_48 : memref<!tpu.dma_semaphore, #tpu.memory_space<semaphore_mem>>)
        %dma_wait3A_53 = arith.constant 0 : i32
        %dma_wait3A_54 = tpu.memref_slice %arg12[%mul3A_47, %dma_wait3A_53] : memref<10000x128xf32, #tpu.memory_space<vmem_shared>> -> memref<80x128xf32, #tpu.memory_space<vmem_shared>>
        %dma_wait3A_55 = arith.constant 0 : i32
        %dma_wait3A_56 = tpu.memref_slice %arg12[%mul3A_47, %dma_wait3A_55] : memref<10000x128xf32, #tpu.memory_space<vmem_shared>> -> memref<80x128xf32, #tpu.memory_space<vmem_shared>>
        tpu.wait_dma2 semaphore(%run_scoped3A_48 : memref<!tpu.dma_semaphore, #tpu.memory_space<semaphore_mem>>) src(%arg11 : memref<80x128xf32, #tpu.memory_space<vmem>>) dst(%dma_wait3A_56 : memref<80x128xf32, #tpu.memory_space<vmem_shared>>)
        tpu.yield
      }) : () -> ()
    }
    %barrier3A = arith.constant 0 : index
    tpu.barrier barrier_id(%barrier3A)
    %mul3A_14 = arith.constant 10000 : i32
    %mul3A_15 = arith.muli %add3A, %mul3A_14 : i32
    "tpu.region"() ({
      %run_scoped3A_42 = tpu.sem_alloc : memref<!tpu.dma_semaphore, #tpu.memory_space<semaphore_mem>>
      %dma_start3A_43 = tpu.memref_slice %arg3[%mul3A_15] : memref<320000xi32, #tpu.memory_space<hbm>> -> memref<80xi32, #tpu.memory_space<hbm>>
      %dma_start3A_44 = tpu.memref_slice %arg3[%mul3A_15] : memref<320000xi32, #tpu.memory_space<hbm>> -> memref<80xi32, #tpu.memory_space<hbm>>
      tpu.enqueue_dma source(%dma_start3A_44 : memref<80xi32, #tpu.memory_space<hbm>>) target(%arg7 : memref<80xi32, #tpu.memory_space<vmem>>) target_semaphore(%run_scoped3A_42 : memref<!tpu.dma_semaphore, #tpu.memory_space<semaphore_mem>>)
      %dma_wait3A_45 = tpu.memref_slice %arg3[%mul3A_15] : memref<320000xi32, #tpu.memory_space<hbm>> -> memref<80xi32, #tpu.memory_space<hbm>>
      %dma_wait3A_46 = tpu.memref_slice %arg3[%mul3A_15] : memref<320000xi32, #tpu.memory_space<hbm>> -> memref<80xi32, #tpu.memory_space<hbm>>
      tpu.wait_dma2 semaphore(%run_scoped3A_42 : memref<!tpu.dma_semaphore, #tpu.memory_space<semaphore_mem>>) src(%dma_wait3A_46 : memref<80xi32, #tpu.memory_space<hbm>>) dst(%arg7 : memref<80xi32, #tpu.memory_space<vmem>>)
      tpu.yield
    }) : () -> ()
    %dma_start3A = arith.constant 0 : i32
    %dma_start3A_16 = arith.constant 0 : i32
    %dma_start3A_17 = tpu.memref_slice %arg2[%dma_start3A, %dma_start3A_16] : memref<10000x128xf32, #tpu.memory_space<hbm>> -> memref<10000x128xf32, #tpu.memory_space<hbm>>
    tpu.enqueue_indirect_dma source(%dma_start3A_17 : memref<10000x128xf32, #tpu.memory_space<hbm>>) target(%arg10 : memref<80x128xf32, #tpu.memory_space<vmem>>) offsets(%arg7 : memref<80xi32, #tpu.memory_space<vmem>>) semaphore(%arg13 : memref<!tpu.dma_semaphore, #tpu.memory_space<semaphore_mem>>)
    %add3A_18 = arith.constant 80 : i32
    %add3A_19 = arith.addi %mul3A_15, %add3A_18 : i32
    %dma_start3A_20 = tpu.memref_slice %arg3[%add3A_19] : memref<320000xi32, #tpu.memory_space<hbm>> -> memref<80xi32, #tpu.memory_space<hbm>>
    %dma_start3A_21 = tpu.memref_slice %arg3[%add3A_19] : memref<320000xi32, #tpu.memory_space<hbm>> -> memref<80xi32, #tpu.memory_space<hbm>>
    tpu.enqueue_dma source(%dma_start3A_21 : memref<80xi32, #tpu.memory_space<hbm>>) target(%arg8 : memref<80xi32, #tpu.memory_space<vmem>>) target_semaphore(%arg16 : memref<!tpu.dma_semaphore, #tpu.memory_space<semaphore_mem>>)
    %scan3A = arith.constant 0 : i32
    %scan3A_22 = arith.constant 0 : i32
    %scan3A_23 = arith.constant 62 : i32
    %scan3A_24 = arith.addi %scan3A_22, %scan3A_23 : i32
    %scan3A_25 = arith.constant 1 : i32
    scf.for %scan3A_42 = %scan3A_22 to %scan3A_24 step %scan3A_25  : i32 {
      %mul3A_43 = arith.constant 2 : i32
      %mul3A_44 = arith.muli %mul3A_43, %scan3A_42 : i32
      %dma_wait3A_45 = arith.constant 0 : i32
      %dma_wait3A_46 = arith.constant 0 : i32
      %dma_wait3A_47 = tpu.memref_slice %arg2[%dma_wait3A_45, %dma_wait3A_46] : memref<10000x128xf32, #tpu.memory_space<hbm>> -> memref<10000x128xf32, #tpu.memory_space<hbm>>
      tpu.wait_indirect_dma semaphore(%arg13 : memref<!tpu.dma_semaphore, #tpu.memory_space<semaphore_mem>>) src(%dma_wait3A_47 : memref<10000x128xf32, #tpu.memory_space<hbm>>) dst(%arg10 : memref<80x128xf32, #tpu.memory_space<vmem>>)
      %dma_wait3A_48 = tpu.memref_slice %arg3[%mul3A_15] : memref<320000xi32, #tpu.memory_space<hbm>> -> memref<80xi32, #tpu.memory_space<hbm>>
      %dma_wait3A_49 = tpu.memref_slice %arg3[%mul3A_15] : memref<320000xi32, #tpu.memory_space<hbm>> -> memref<80xi32, #tpu.memory_space<hbm>>
      tpu.wait_dma2 semaphore(%arg16 : memref<!tpu.dma_semaphore, #tpu.memory_space<semaphore_mem>>) src(%dma_wait3A_49 : memref<80xi32, #tpu.memory_space<hbm>>) dst(%arg8 : memref<80xi32, #tpu.memory_space<vmem>>)
      %dma_start3A_50 = arith.constant 0 : i32
      %dma_start3A_51 = arith.constant 0 : i32
      %dma_start3A_52 = tpu.memref_slice %arg2[%dma_start3A_50, %dma_start3A_51] : memref<10000x128xf32, #tpu.memory_space<hbm>> -> memref<10000x128xf32, #tpu.memory_space<hbm>>
      tpu.enqueue_indirect_dma source(%dma_start3A_52 : memref<10000x128xf32, #tpu.memory_space<hbm>>) target(%arg11 : memref<80x128xf32, #tpu.memory_space<vmem>>) offsets(%arg8 : memref<80xi32, #tpu.memory_space<vmem>>) semaphore(%arg14 : memref<!tpu.dma_semaphore, #tpu.memory_space<semaphore_mem>>)
      %add3A_53 = arith.constant 2 : i32
      %add3A_54 = arith.addi %mul3A_44, %add3A_53 : i32
      %mul3A_55 = arith.constant 80 : i32
      %mul3A_56 = arith.muli %add3A_54, %mul3A_55 : i32
      %add3A_57 = arith.addi %mul3A_15, %mul3A_56 : i32
      %dma_start3A_58 = tpu.memref_slice %arg3[%add3A_57] : memref<320000xi32, #tpu.memory_space<hbm>> -> memref<80xi32, #tpu.memory_space<hbm>>
      %dma_start3A_59 = tpu.memref_slice %arg3[%add3A_57] : memref<320000xi32, #tpu.memory_space<hbm>> -> memref<80xi32, #tpu.memory_space<hbm>>
      tpu.enqueue_dma source(%dma_start3A_59 : memref<80xi32, #tpu.memory_space<hbm>>) target(%arg7 : memref<80xi32, #tpu.memory_space<vmem>>) target_semaphore(%arg15 : memref<!tpu.dma_semaphore, #tpu.memory_space<semaphore_mem>>)
      "tpu.region"() ({
        %run_scoped3A_78 = tpu.sem_alloc : memref<!tpu.dma_semaphore, #tpu.memory_space<semaphore_mem>>
        %dma_start3A_79 = arith.constant 0 : i32
        %dma_start3A_80 = tpu.memref_slice %arg9[%mul3A_44, %dma_start3A_79] : memref<125x80xi32, #tpu.memory_space<vmem>> -> memref<1x80xi32, #tpu.memory_space<vmem>>
        %dma_start3A_81 = tpu.memref_squeeze %dma_start3A_80 : memref<1x80xi32, #tpu.memory_space<vmem>> -> memref<80xi32, #tpu.memory_space<vmem>>
        %dma_start3A_82 = arith.constant 0 : i32
        %dma_start3A_83 = arith.constant 0 : i32
        %dma_start3A_84 = tpu.memref_slice %arg12[%dma_start3A_82, %dma_start3A_83] : memref<10000x128xf32, #tpu.memory_space<vmem_shared>> -> memref<10000x128xf32, #tpu.memory_space<vmem_shared>>
        tpu.enqueue_indirect_dma source(%arg10 : memref<80x128xf32, #tpu.memory_space<vmem>>) target(%dma_start3A_84 : memref<10000x128xf32, #tpu.memory_space<vmem_shared>>) offsets(%dma_start3A_81 : memref<80xi32, #tpu.memory_space<vmem>>) semaphore(%run_scoped3A_78 : memref<!tpu.dma_semaphore, #tpu.memory_space<semaphore_mem>>) {add = true}
        %dma_wait3A_85 = arith.constant 0 : i32
        %dma_wait3A_86 = tpu.memref_slice %arg9[%mul3A_44, %dma_wait3A_85] : memref<125x80xi32, #tpu.memory_space<vmem>> -> memref<1x80xi32, #tpu.memory_space<vmem>>
        %dma_wait3A_87 = tpu.memref_squeeze %dma_wait3A_86 : memref<1x80xi32, #tpu.memory_space<vmem>> -> memref<80xi32, #tpu.memory_space<vmem>>
        %dma_wait3A_88 = arith.constant 0 : i32
        %dma_wait3A_89 = arith.constant 0 : i32
        %dma_wait3A_90 = tpu.memref_slice %arg12[%dma_wait3A_88, %dma_wait3A_89] : memref<10000x128xf32, #tpu.memory_space<vmem_shared>> -> memref<10000x128xf32, #tpu.memory_space<vmem_shared>>
        tpu.wait_indirect_dma semaphore(%run_scoped3A_78 : memref<!tpu.dma_semaphore, #tpu.memory_space<semaphore_mem>>) src(%arg10 : memref<80x128xf32, #tpu.memory_space<vmem>>) dst(%dma_wait3A_90 : memref<10000x128xf32, #tpu.memory_space<vmem_shared>>)
        tpu.yield
      }) : () -> ()
      %dma_wait3A_60 = arith.constant 0 : i32
      %dma_wait3A_61 = arith.constant 0 : i32
      %dma_wait3A_62 = tpu.memref_slice %arg2[%dma_wait3A_60, %dma_wait3A_61] : memref<10000x128xf32, #tpu.memory_space<hbm>> -> memref<10000x128xf32, #tpu.memory_space<hbm>>
      tpu.wait_indirect_dma semaphore(%arg14 : memref<!tpu.dma_semaphore, #tpu.memory_space<semaphore_mem>>) src(%dma_wait3A_62 : memref<10000x128xf32, #tpu.memory_space<hbm>>) dst(%arg11 : memref<80x128xf32, #tpu.memory_space<vmem>>)
      %dma_wait3A_63 = tpu.memref_slice %arg3[%mul3A_15] : memref<320000xi32, #tpu.memory_space<hbm>> -> memref<80xi32, #tpu.memory_space<hbm>>
      %dma_wait3A_64 = tpu.memref_slice %arg3[%mul3A_15] : memref<320000xi32, #tpu.memory_space<hbm>> -> memref<80xi32, #tpu.memory_space<hbm>>
      tpu.wait_dma2 semaphore(%arg15 : memref<!tpu.dma_semaphore, #tpu.memory_space<semaphore_mem>>) src(%dma_wait3A_64 : memref<80xi32, #tpu.memory_space<hbm>>) dst(%arg7 : memref<80xi32, #tpu.memory_space<vmem>>)
      %dma_start3A_65 = arith.constant 0 : i32
      %dma_start3A_66 = arith.constant 0 : i32
      %dma_start3A_67 = tpu.memref_slice %arg2[%dma_start3A_65, %dma_start3A_66] : memref<10000x128xf32, #tpu.memory_space<hbm>> -> memref<10000x128xf32, #tpu.memory_space<hbm>>
      tpu.enqueue_indirect_dma source(%dma_start3A_67 : memref<10000x128xf32, #tpu.memory_space<hbm>>) target(%arg10 : memref<80x128xf32, #tpu.memory_space<vmem>>) offsets(%arg7 : memref<80xi32, #tpu.memory_space<vmem>>) semaphore(%arg13 : memref<!tpu.dma_semaphore, #tpu.memory_space<semaphore_mem>>)
      %add3A_68 = arith.constant 3 : i32
      %add3A_69 = arith.addi %mul3A_44, %add3A_68 : i32
      %min3A = arith.constant 124 : i32
      %min3A_70 = arith.minsi %add3A_69, %min3A : i32
      %mul3A_71 = arith.constant 80 : i32
      %mul3A_72 = arith.muli %min3A_70, %mul3A_71 : i32
      %add3A_73 = arith.addi %mul3A_15, %mul3A_72 : i32
      %dma_start3A_74 = tpu.memref_slice %arg3[%add3A_73] : memref<320000xi32, #tpu.memory_space<hbm>> -> memref<80xi32, #tpu.memory_space<hbm>>
      %dma_start3A_75 = tpu.memref_slice %arg3[%add3A_73] : memref<320000xi32, #tpu.memory_space<hbm>> -> memref<80xi32, #tpu.memory_space<hbm>>
      tpu.enqueue_dma source(%dma_start3A_75 : memref<80xi32, #tpu.memory_space<hbm>>) target(%arg8 : memref<80xi32, #tpu.memory_space<vmem>>) target_semaphore(%arg16 : memref<!tpu.dma_semaphore, #tpu.memory_space<semaphore_mem>>)
      %add3A_76 = arith.constant 1 : i32
      %add3A_77 = arith.addi %mul3A_44, %add3A_76 : i32
      "tpu.region"() ({
        %run_scoped3A_78 = tpu.sem_alloc : memref<!tpu.dma_semaphore, #tpu.memory_space<semaphore_mem>>
        %dma_start3A_79 = arith.constant 0 : i32
        %dma_start3A_80 = tpu.memref_slice %arg9[%add3A_77, %dma_start3A_79] : memref<125x80xi32, #tpu.memory_space<vmem>> -> memref<1x80xi32, #tpu.memory_space<vmem>>
        %dma_start3A_81 = tpu.memref_squeeze %dma_start3A_80 : memref<1x80xi32, #tpu.memory_space<vmem>> -> memref<80xi32, #tpu.memory_space<vmem>>
        %dma_start3A_82 = arith.constant 0 : i32
        %dma_start3A_83 = arith.constant 0 : i32
        %dma_start3A_84 = tpu.memref_slice %arg12[%dma_start3A_82, %dma_start3A_83] : memref<10000x128xf32, #tpu.memory_space<vmem_shared>> -> memref<10000x128xf32, #tpu.memory_space<vmem_shared>>
        tpu.enqueue_indirect_dma source(%arg11 : memref<80x128xf32, #tpu.memory_space<vmem>>) target(%dma_start3A_84 : memref<10000x128xf32, #tpu.memory_space<vmem_shared>>) offsets(%dma_start3A_81 : memref<80xi32, #tpu.memory_space<vmem>>) semaphore(%run_scoped3A_78 : memref<!tpu.dma_semaphore, #tpu.memory_space<semaphore_mem>>) {add = true}
        %dma_wait3A_85 = arith.constant 0 : i32
        %dma_wait3A_86 = tpu.memref_slice %arg9[%add3A_77, %dma_wait3A_85] : memref<125x80xi32, #tpu.memory_space<vmem>> -> memref<1x80xi32, #tpu.memory_space<vmem>>
        %dma_wait3A_87 = tpu.memref_squeeze %dma_wait3A_86 : memref<1x80xi32, #tpu.memory_space<vmem>> -> memref<80xi32, #tpu.memory_space<vmem>>
        %dma_wait3A_88 = arith.constant 0 : i32
        %dma_wait3A_89 = arith.constant 0 : i32
        %dma_wait3A_90 = tpu.memref_slice %arg12[%dma_wait3A_88, %dma_wait3A_89] : memref<10000x128xf32, #tpu.memory_space<vmem_shared>> -> memref<10000x128xf32, #tpu.memory_space<vmem_shared>>
        tpu.wait_indirect_dma semaphore(%run_scoped3A_78 : memref<!tpu.dma_semaphore, #tpu.memory_space<semaphore_mem>>) src(%arg11 : memref<80x128xf32, #tpu.memory_space<vmem>>) dst(%dma_wait3A_90 : memref<10000x128xf32, #tpu.memory_space<vmem_shared>>)
        tpu.yield
      }) : () -> ()
    }
    %scan3A_26 = arith.constant 62 : i32
    %dma_wait3A = arith.constant 0 : i32
    %dma_wait3A_27 = arith.constant 0 : i32
    %dma_wait3A_28 = tpu.memref_slice %arg2[%dma_wait3A, %dma_wait3A_27] : memref<10000x128xf32, #tpu.memory_space<hbm>> -> memref<10000x128xf32, #tpu.memory_space<hbm>>
    tpu.wait_indirect_dma semaphore(%arg13 : memref<!tpu.dma_semaphore, #tpu.memory_space<semaphore_mem>>) src(%dma_wait3A_28 : memref<10000x128xf32, #tpu.memory_space<hbm>>) dst(%arg10 : memref<80x128xf32, #tpu.memory_space<vmem>>)
    %run_scoped3A = arith.constant 124 : i32
    "tpu.region"() ({
      %run_scoped3A_42 = tpu.sem_alloc : memref<!tpu.dma_semaphore, #tpu.memory_space<semaphore_mem>>
      %dma_start3A_43 = arith.constant 0 : i32
      %dma_start3A_44 = tpu.memref_slice %arg9[%run_scoped3A, %dma_start3A_43] : memref<125x80xi32, #tpu.memory_space<vmem>> -> memref<1x80xi32, #tpu.memory_space<vmem>>
      %dma_start3A_45 = tpu.memref_squeeze %dma_start3A_44 : memref<1x80xi32, #tpu.memory_space<vmem>> -> memref<80xi32, #tpu.memory_space<vmem>>
      %dma_start3A_46 = arith.constant 0 : i32
      %dma_start3A_47 = arith.constant 0 : i32
      %dma_start3A_48 = tpu.memref_slice %arg12[%dma_start3A_46, %dma_start3A_47] : memref<10000x128xf32, #tpu.memory_space<vmem_shared>> -> memref<10000x128xf32, #tpu.memory_space<vmem_shared>>
      tpu.enqueue_indirect_dma source(%arg10 : memref<80x128xf32, #tpu.memory_space<vmem>>) target(%dma_start3A_48 : memref<10000x128xf32, #tpu.memory_space<vmem_shared>>) offsets(%dma_start3A_45 : memref<80xi32, #tpu.memory_space<vmem>>) semaphore(%run_scoped3A_42 : memref<!tpu.dma_semaphore, #tpu.memory_space<semaphore_mem>>) {add = true}
      %dma_wait3A_49 = arith.constant 0 : i32
      %dma_wait3A_50 = tpu.memref_slice %arg9[%run_scoped3A, %dma_wait3A_49] : memref<125x80xi32, #tpu.memory_space<vmem>> -> memref<1x80xi32, #tpu.memory_space<vmem>>
      %dma_wait3A_51 = tpu.memref_squeeze %dma_wait3A_50 : memref<1x80xi32, #tpu.memory_space<vmem>> -> memref<80xi32, #tpu.memory_space<vmem>>
      %dma_wait3A_52 = arith.constant 0 : i32
      %dma_wait3A_53 = arith.constant 0 : i32
      %dma_wait3A_54 = tpu.memref_slice %arg12[%dma_wait3A_52, %dma_wait3A_53] : memref<10000x128xf32, #tpu.memory_space<vmem_shared>> -> memref<10000x128xf32, #tpu.memory_space<vmem_shared>>
      tpu.wait_indirect_dma semaphore(%run_scoped3A_42 : memref<!tpu.dma_semaphore, #tpu.memory_space<semaphore_mem>>) src(%arg10 : memref<80x128xf32, #tpu.memory_space<vmem>>) dst(%dma_wait3A_54 : memref<10000x128xf32, #tpu.memory_space<vmem_shared>>)
      tpu.yield
    }) : () -> ()
    %dma_wait3A_29 = tpu.memref_slice %arg3[%mul3A_15] : memref<320000xi32, #tpu.memory_space<hbm>> -> memref<80xi32, #tpu.memory_space<hbm>>
    %dma_wait3A_30 = tpu.memref_slice %arg3[%mul3A_15] : memref<320000xi32, #tpu.memory_space<hbm>> -> memref<80xi32, #tpu.memory_space<hbm>>
    tpu.wait_dma2 semaphore(%arg16 : memref<!tpu.dma_semaphore, #tpu.memory_space<semaphore_mem>>) src(%dma_wait3A_30 : memref<80xi32, #tpu.memory_space<hbm>>) dst(%arg8 : memref<80xi32, #tpu.memory_space<vmem>>)
    %barrier3A_31 = arith.constant 0 : index
    tpu.barrier barrier_id(%barrier3A_31)
    %while3A_32 = arith.constant 0 : i32
    %while3A_33 = arith.constant 0 : i32
    %while3A_34 = arith.subi %add3A_4, %while3A_33 : i32
    %while3A_35 = arith.addi %while3A_33, %while3A_34 : i32
    %while3A_36 = arith.constant 1 : i32
    %while3A_37 = arith.divsi %while3A_34, %while3A_36 : i32
    %while3A_38 = arith.muli %while3A_37, %while3A_36 : i32
    %while3A_39 = arith.addi %while3A_33, %while3A_38 : i32
    %while3A_40 = arith.constant 1 : i32
    scf.for %while3A_42 = %while3A_33 to %while3A_39 step %while3A_40  : i32 {
      %mul3A_43 = arith.constant 16 : i32
      %mul3A_44 = arith.muli %while3A_42, %mul3A_43 : i32
      %add3A_45 = arith.addi %arg1, %mul3A_44 : i32
      %mul3A_46 = arith.constant 80 : i32
      %mul3A_47 = arith.muli %add3A_45, %mul3A_46 : i32
      "tpu.region"() ({
        %run_scoped3A_51 = tpu.sem_alloc : memref<!tpu.dma_semaphore, #tpu.memory_space<semaphore_mem>>
        %dma_start3A_52 = arith.constant 0 : i32
        %dma_start3A_53 = tpu.memref_slice %arg12[%mul3A_47, %dma_start3A_52] : memref<10000x128xf32, #tpu.memory_space<vmem_shared>> -> memref<80x128xf32, #tpu.memory_space<vmem_shared>>
        %dma_start3A_54 = arith.constant 0 : i32
        %dma_start3A_55 = tpu.memref_slice %arg12[%mul3A_47, %dma_start3A_54] : memref<10000x128xf32, #tpu.memory_space<vmem_shared>> -> memref<80x128xf32, #tpu.memory_space<vmem_shared>>
        tpu.enqueue_dma source(%dma_start3A_55 : memref<80x128xf32, #tpu.memory_space<vmem_shared>>) target(%arg10 : memref<80x128xf32, #tpu.memory_space<vmem>>) target_semaphore(%run_scoped3A_51 : memref<!tpu.dma_semaphore, #tpu.memory_space<semaphore_mem>>)
        %dma_wait3A_56 = arith.constant 0 : i32
        %dma_wait3A_57 = tpu.memref_slice %arg12[%mul3A_47, %dma_wait3A_56] : memref<10000x128xf32, #tpu.memory_space<vmem_shared>> -> memref<80x128xf32, #tpu.memory_space<vmem_shared>>
        %dma_wait3A_58 = arith.constant 0 : i32
        %dma_wait3A_59 = tpu.memref_slice %arg12[%mul3A_47, %dma_wait3A_58] : memref<10000x128xf32, #tpu.memory_space<vmem_shared>> -> memref<80x128xf32, #tpu.memory_space<vmem_shared>>
        tpu.wait_dma2 semaphore(%run_scoped3A_51 : memref<!tpu.dma_semaphore, #tpu.memory_space<semaphore_mem>>) src(%dma_wait3A_59 : memref<80x128xf32, #tpu.memory_space<vmem_shared>>) dst(%arg10 : memref<80x128xf32, #tpu.memory_space<vmem>>)
        tpu.yield
      }) : () -> ()
      %mul3A_48 = arith.constant 10000 : i32
      %mul3A_49 = arith.muli %arg0, %mul3A_48 : i32
      %add3A_50 = arith.addi %mul3A_49, %mul3A_47 : i32
      "tpu.region"() ({
        %run_scoped3A_51 = tpu.sem_alloc : memref<!tpu.dma_semaphore, #tpu.memory_space<semaphore_mem>>
        %dma_start3A_52 = arith.constant 0 : i32
        %dma_start3A_53 = tpu.memref_slice %arg6[%add3A_50, %dma_start3A_52] : memref<20000x128xf32, #tpu.memory_space<hbm>> -> memref<80x128xf32, #tpu.memory_space<hbm>>
        %dma_start3A_54 = arith.constant 0 : i32
        %dma_start3A_55 = tpu.memref_slice %arg6[%add3A_50, %dma_start3A_54] : memref<20000x128xf32, #tpu.memory_space<hbm>> -> memref<80x128xf32, #tpu.memory_space<hbm>>
        tpu.enqueue_dma source(%arg10 : memref<80x128xf32, #tpu.memory_space<vmem>>) target(%dma_start3A_55 : memref<80x128xf32, #tpu.memory_space<hbm>>) target_semaphore(%run_scoped3A_51 : memref<!tpu.dma_semaphore, #tpu.memory_space<semaphore_mem>>)
        %dma_wait3A_56 = arith.constant 0 : i32
        %dma_wait3A_57 = tpu.memref_slice %arg6[%add3A_50, %dma_wait3A_56] : memref<20000x128xf32, #tpu.memory_space<hbm>> -> memref<80x128xf32, #tpu.memory_space<hbm>>
        %dma_wait3A_58 = arith.constant 0 : i32
        %dma_wait3A_59 = tpu.memref_slice %arg6[%add3A_50, %dma_wait3A_58] : memref<20000x128xf32, #tpu.memory_space<hbm>> -> memref<80x128xf32, #tpu.memory_space<hbm>>
        tpu.wait_dma2 semaphore(%run_scoped3A_51 : memref<!tpu.dma_semaphore, #tpu.memory_space<semaphore_mem>>) src(%arg10 : memref<80x128xf32, #tpu.memory_space<vmem>>) dst(%dma_wait3A_59 : memref<80x128xf32, #tpu.memory_space<hbm>>)
        tpu.yield
      }) : () -> ()
    }
    %while3A_41 = arith.constant 1 : i32
    scf.for %while3A_42 = %while3A_39 to %while3A_35 step %while3A_41  : i32 {
      %mul3A_43 = arith.constant 16 : i32
      %mul3A_44 = arith.muli %while3A_42, %mul3A_43 : i32
      %add3A_45 = arith.addi %arg1, %mul3A_44 : i32
      %mul3A_46 = arith.constant 80 : i32
      %mul3A_47 = arith.muli %add3A_45, %mul3A_46 : i32
      "tpu.region"() ({
        %run_scoped3A_51 = tpu.sem_alloc : memref<!tpu.dma_semaphore, #tpu.memory_space<semaphore_mem>>
        %dma_start3A_52 = arith.constant 0 : i32
        %dma_start3A_53 = tpu.memref_slice %arg12[%mul3A_47, %dma_start3A_52] : memref<10000x128xf32, #tpu.memory_space<vmem_shared>> -> memref<80x128xf32, #tpu.memory_space<vmem_shared>>
        %dma_start3A_54 = arith.constant 0 : i32
        %dma_start3A_55 = tpu.memref_slice %arg12[%mul3A_47, %dma_start3A_54] : memref<10000x128xf32, #tpu.memory_space<vmem_shared>> -> memref<80x128xf32, #tpu.memory_space<vmem_shared>>
        tpu.enqueue_dma source(%dma_start3A_55 : memref<80x128xf32, #tpu.memory_space<vmem_shared>>) target(%arg10 : memref<80x128xf32, #tpu.memory_space<vmem>>) target_semaphore(%run_scoped3A_51 : memref<!tpu.dma_semaphore, #tpu.memory_space<semaphore_mem>>)
        %dma_wait3A_56 = arith.constant 0 : i32
        %dma_wait3A_57 = tpu.memref_slice %arg12[%mul3A_47, %dma_wait3A_56] : memref<10000x128xf32, #tpu.memory_space<vmem_shared>> -> memref<80x128xf32, #tpu.memory_space<vmem_shared>>
        %dma_wait3A_58 = arith.constant 0 : i32
        %dma_wait3A_59 = tpu.memref_slice %arg12[%mul3A_47, %dma_wait3A_58] : memref<10000x128xf32, #tpu.memory_space<vmem_shared>> -> memref<80x128xf32, #tpu.memory_space<vmem_shared>>
        tpu.wait_dma2 semaphore(%run_scoped3A_51 : memref<!tpu.dma_semaphore, #tpu.memory_space<semaphore_mem>>) src(%dma_wait3A_59 : memref<80x128xf32, #tpu.memory_space<vmem_shared>>) dst(%arg10 : memref<80x128xf32, #tpu.memory_space<vmem>>)
        tpu.yield
      }) : () -> ()
      %mul3A_48 = arith.constant 10000 : i32
      %mul3A_49 = arith.muli %arg0, %mul3A_48 : i32
      %add3A_50 = arith.addi %mul3A_49, %mul3A_47 : i32
      "tpu.region"() ({
        %run_scoped3A_51 = tpu.sem_alloc : memref<!tpu.dma_semaphore, #tpu.memory_space<semaphore_mem>>
        %dma_start3A_52 = arith.constant 0 : i32
        %dma_start3A_53 = tpu.memref_slice %arg6[%add3A_50, %dma_start3A_52] : memref<20000x128xf32, #tpu.memory_space<hbm>> -> memref<80x128xf32, #tpu.memory_space<hbm>>
        %dma_start3A_54 = arith.constant 0 : i32
        %dma_start3A_55 = tpu.memref_slice %arg6[%add3A_50, %dma_start3A_54] : memref<20000x128xf32, #tpu.memory_space<hbm>> -> memref<80x128xf32, #tpu.memory_space<hbm>>
        tpu.enqueue_dma source(%arg10 : memref<80x128xf32, #tpu.memory_space<vmem>>) target(%dma_start3A_55 : memref<80x128xf32, #tpu.memory_space<hbm>>) target_semaphore(%run_scoped3A_51 : memref<!tpu.dma_semaphore, #tpu.memory_space<semaphore_mem>>)
        %dma_wait3A_56 = arith.constant 0 : i32
        %dma_wait3A_57 = tpu.memref_slice %arg6[%add3A_50, %dma_wait3A_56] : memref<20000x128xf32, #tpu.memory_space<hbm>> -> memref<80x128xf32, #tpu.memory_space<hbm>>
        %dma_wait3A_58 = arith.constant 0 : i32
        %dma_wait3A_59 = tpu.memref_slice %arg6[%add3A_50, %dma_wait3A_58] : memref<20000x128xf32, #tpu.memory_space<hbm>> -> memref<80x128xf32, #tpu.memory_space<hbm>>
        tpu.wait_dma2 semaphore(%run_scoped3A_51 : memref<!tpu.dma_semaphore, #tpu.memory_space<semaphore_mem>>) src(%arg10 : memref<80x128xf32, #tpu.memory_space<vmem>>) dst(%dma_wait3A_59 : memref<80x128xf32, #tpu.memory_space<hbm>>)
        tpu.yield
      }) : () -> ()
    }
    return
  }
}

module attributes {stable_mosaic.version = 14 : i64} {
  func.func @body(%arg0: i32, %arg1: memref<16000x1xi32, #tpu.memory_space<vmem>>, %arg2: memref<128x128xf32, #tpu.memory_space<vmem>>) attributes {dimension_semantics = [#tpu.dimension_semantics<arbitrary>], iteration_bounds = array<i64: 20>, scalar_prefetch = 0 : i64, scratch_operands = 0 : i64, tpu.core_type = #tpu.core_type<tc>, window_params = [{transform_indices = @transform_0, window_bounds = array<i64: 16000, 1>}, {pipeline_mode = #tpu.pipeline_mode<synchronous>, transform_indices = @transform_1, window_bounds = array<i64: 128, 128>}]} {
    %get3A = arith.constant 0 : index
    %get3A_0 = arith.constant 0 : index
    %get3A_1 = vector.load %arg1[%get3A, %get3A_0] : memref<16000x1xi32, #tpu.memory_space<vmem>>, vector<16000x1xi32>
    %iota3A = tpu.iota {dimensions = array<i32: 1>} : vector<1x128xi32>
    %shift_right_logical3A = arith.constant 7 : i32
    %shift_right_logical3A_2 = vector.broadcast %shift_right_logical3A : i32 to vector<16000x1xi32>
    %shift_right_logical3A_3 = arith.shrui %get3A_1, %shift_right_logical3A_2 : vector<16000x1xi32>
    %eq3A = vector.broadcast %shift_right_logical3A_3 : vector<16000x1xi32> to vector<16000x128xi32>
    %eq3A_4 = vector.broadcast %iota3A : vector<1x128xi32> to vector<16000x128xi32>
    %eq3A_5 = arith.cmpi eq, %eq3A, %eq3A_4 : vector<16000x128xi32>
    %convert_element_type3A = arith.extui %eq3A_5 : vector<16000x128xi1> to vector<16000x128xi32>
    %convert_element_type3A_6 = arith.sitofp %convert_element_type3A : vector<16000x128xi32> to vector<16000x128xf32>
    %convert_element_type3A_7 = arith.truncf %convert_element_type3A_6 : vector<16000x128xf32> to vector<16000x128xbf16>
    %and3A = arith.constant 127 : i32
    %and3A_8 = vector.broadcast %and3A : i32 to vector<16000x1xi32>
    %and3A_9 = arith.andi %get3A_1, %and3A_8 : vector<16000x1xi32>
    %eq3A_10 = vector.broadcast %and3A_9 : vector<16000x1xi32> to vector<16000x128xi32>
    %eq3A_11 = vector.broadcast %iota3A : vector<1x128xi32> to vector<16000x128xi32>
    %eq3A_12 = arith.cmpi eq, %eq3A_10, %eq3A_11 : vector<16000x128xi32>
    %convert_element_type3A_13 = arith.extui %eq3A_12 : vector<16000x128xi1> to vector<16000x128xi32>
    %convert_element_type3A_14 = arith.sitofp %convert_element_type3A_13 : vector<16000x128xi32> to vector<16000x128xf32>
    %convert_element_type3A_15 = arith.truncf %convert_element_type3A_14 : vector<16000x128xf32> to vector<16000x128xbf16>
    %dot_general3A = arith.constant dense<0.000000e+00> : vector<128x128xf32>
    %dot_general3A_16 = tpu.matmul %convert_element_type3A_7, %convert_element_type3A_15, %dot_general3A {dimension_numbers = #tpu.dot_dimension_numbers<[0], [0], [1], [1], [0, 1, 1, 1], [], []>, transpose_lhs_hint = false} : vector<16000x128xbf16>, vector<16000x128xbf16>, vector<128x128xf32> -> vector<128x128xf32>
    %eq3A_17 = arith.constant 0 : i32
    %eq3A_18 = arith.cmpi eq, %arg0, %eq3A_17 : i32
    %convert_element_type3A_19 = arith.extui %eq3A_18 : i1 to i32
    %cond3A = arith.constant 0 : i32
    %cond3A_20 = arith.cmpi ne, %convert_element_type3A_19, %cond3A : i32
    scf.if %cond3A_20 {
      %swap3A = arith.constant 0 : index
      %swap3A_25 = arith.constant 0 : index
      %swap3A_26 = vector.load %arg2[%swap3A, %swap3A_25] : memref<128x128xf32, #tpu.memory_space<vmem>>, vector<128x128xf32>
      tpu.vector_store %arg2[%swap3A, %swap3A_25], %dot_general3A_16 {strides = array<i32>} : memref<128x128xf32, #tpu.memory_space<vmem>>, vector<128x128xf32>,
    } else {
    }
    %gt3A = arith.constant 0 : i32
    %gt3A_21 = arith.cmpi sgt, %arg0, %gt3A : i32
    %convert_element_type3A_22 = arith.extui %gt3A_21 : i1 to i32
    %cond3A_23 = arith.constant 0 : i32
    %cond3A_24 = arith.cmpi ne, %convert_element_type3A_22, %cond3A_23 : i32
    scf.if %cond3A_24 {
      %get3A_25 = arith.constant 0 : index
      %get3A_26 = arith.constant 0 : index
      %get3A_27 = vector.load %arg2[%get3A_25, %get3A_26] : memref<128x128xf32, #tpu.memory_space<vmem>>, vector<128x128xf32>
      %add3A = arith.addf %get3A_27, %dot_general3A_16 : vector<128x128xf32>
      %swap3A = arith.constant 0 : index
      %swap3A_28 = arith.constant 0 : index
      %swap3A_29 = vector.load %arg2[%swap3A, %swap3A_28] : memref<128x128xf32, #tpu.memory_space<vmem>>, vector<128x128xf32>
      tpu.vector_store %arg2[%swap3A, %swap3A_28], %add3A {strides = array<i32>} : memref<128x128xf32, #tpu.memory_space<vmem>>, vector<128x128xf32>,
    } else {
    }
    return
  }
  func.func @transform_0(%arg0: i32) -> (i32, i32) {
    %c0_i32 = arith.constant 0 : i32
    %c0_i32_0 = arith.constant 0 : i32
    return %arg0, %c0_i32 : i32, i32
  }
  func.func @transform_1(%arg0: i32) -> (i32, i32) {
    %c0_i32 = arith.constant 0 : i32
    %c0_i32_0 = arith.constant 0 : i32
    %c0_i32_1 = arith.constant 0 : i32
    return %c0_i32, %c0_i32_0 : i32, i32
  }
}

module attributes {stable_mosaic.version = 14 : i64} {
  func.func @body(%arg0: i32, %arg1: memref<1000x128xf32, #tpu.memory_space<vmem>>, %arg2: memref<1000x128xf32, #tpu.memory_space<vmem>>, %arg3: memref<1000x128xf32, #tpu.memory_space<vmem>>, %arg4: memref<1000x1xf32, #tpu.memory_space<vmem>>, %arg5: memref<128x128xf32, #tpu.memory_space<vmem>>, %arg6: memref<128x128xf32, #tpu.memory_space<vmem>>, %arg7: memref<1x128xf32, #tpu.memory_space<vmem>>, %arg8: memref<1x128xf32, #tpu.memory_space<vmem>>, %arg9: memref<1000x128xf32, #tpu.memory_space<vmem>>) attributes {dimension_semantics = [#tpu.dimension_semantics<arbitrary>], iteration_bounds = array<i64: 10>, scalar_prefetch = 0 : i64, scratch_operands = 0 : i64, tpu.core_type = #tpu.core_type<tc>, window_params = [{transform_indices = @transform_0, window_bounds = array<i64: 1000, 128>}, {transform_indices = @transform_1, window_bounds = array<i64: 1000, 128>}, {transform_indices = @transform_2, window_bounds = array<i64: 1000, 128>}, {transform_indices = @transform_3, window_bounds = array<i64: 1000, 1>}, {pipeline_mode = #tpu.pipeline_mode<synchronous>, transform_indices = @transform_4, window_bounds = array<i64: 128, 128>}, {pipeline_mode = #tpu.pipeline_mode<synchronous>, transform_indices = @transform_5, window_bounds = array<i64: 128, 128>}, {pipeline_mode = #tpu.pipeline_mode<synchronous>, transform_indices = @transform_6, window_bounds = array<i64: 1, 128>}, {pipeline_mode = #tpu.pipeline_mode<synchronous>, transform_indices = @transform_7, window_bounds = array<i64: 1, 128>}, {transform_indices = @transform_8, window_bounds = array<i64: 1000, 128>}]} {
    %get3A = arith.constant 0 : index
    %get3A_0 = arith.constant 0 : index
    %get3A_1 = vector.load %arg4[%get3A, %get3A_0] : memref<1000x1xf32, #tpu.memory_space<vmem>>, vector<1000x1xf32>
    %max3A = arith.constant 1.000000e+00 : f32
    %max3A_2 = vector.broadcast %max3A : f32 to vector<1000x1xf32>
    %max3A_3 = arith.maximumf %get3A_1, %max3A_2 : vector<1000x1xf32>
    %get3A_4 = arith.constant 0 : index
    %get3A_5 = arith.constant 0 : index
    %get3A_6 = vector.load %arg2[%get3A_4, %get3A_5] : memref<1000x128xf32, #tpu.memory_space<vmem>>, vector<1000x128xf32>
    %get3A_7 = arith.constant 0 : index
    %get3A_8 = arith.constant 0 : index
    %get3A_9 = vector.load %arg3[%get3A_7, %get3A_8] : memref<1000x128xf32, #tpu.memory_space<vmem>>, vector<1000x128xf32>
    %add3A = arith.addf %get3A_6, %get3A_9 : vector<1000x128xf32>
    %div3A = vector.broadcast %max3A_3 : vector<1000x1xf32> to vector<1000x128xf32>
    %div3A_10 = arith.divf %add3A, %div3A : vector<1000x128xf32>
    %get3A_11 = arith.constant 0 : index
    %get3A_12 = arith.constant 0 : index
    %get3A_13 = vector.load %arg1[%get3A_11, %get3A_12] : memref<1000x128xf32, #tpu.memory_space<vmem>>, vector<1000x128xf32>
    %get3A_14 = arith.constant 0 : index
    %get3A_15 = arith.constant 0 : index
    %get3A_16 = vector.load %arg5[%get3A_14, %get3A_15] : memref<128x128xf32, #tpu.memory_space<vmem>>, vector<128x128xf32>
    %dot_general3A = arith.constant dense<0.000000e+00> : vector<1000x128xf32>
    %dot_general3A_17 = tpu.matmul %get3A_13, %get3A_16, %dot_general3A {dimension_numbers = #tpu.dot_dimension_numbers<[1], [1], [0], [0], [0, 0, 1, 0], [], []>, transpose_lhs_hint = false} : vector<1000x128xf32>, vector<128x128xf32>, vector<1000x128xf32> -> vector<1000x128xf32>
    %get3A_18 = arith.constant 0 : index
    %get3A_19 = arith.constant 0 : index
    %get3A_20 = vector.load %arg6[%get3A_18, %get3A_19] : memref<128x128xf32, #tpu.memory_space<vmem>>, vector<128x128xf32>
    %dot_general3A_21 = arith.constant dense<0.000000e+00> : vector<1000x128xf32>
    %dot_general3A_22 = tpu.matmul %div3A_10, %get3A_20, %dot_general3A_21 {dimension_numbers = #tpu.dot_dimension_numbers<[1], [1], [0], [0], [0, 0, 1, 0], [], []>, transpose_lhs_hint = false} : vector<1000x128xf32>, vector<128x128xf32>, vector<1000x128xf32> -> vector<1000x128xf32>
    %add3A_23 = arith.addf %dot_general3A_17, %dot_general3A_22 : vector<1000x128xf32>
    %get3A_24 = arith.constant 0 : index
    %get3A_25 = arith.constant 0 : index
    %get3A_26 = vector.load %arg7[%get3A_24, %get3A_25] : memref<1x128xf32, #tpu.memory_space<vmem>>, vector<1x128xf32>
    %add3A_27 = vector.broadcast %get3A_26 : vector<1x128xf32> to vector<1000x128xf32>
    %add3A_28 = arith.addf %add3A_23, %add3A_27 : vector<1000x128xf32>
    %get3A_29 = arith.constant 0 : index
    %get3A_30 = arith.constant 0 : index
    %get3A_31 = vector.load %arg8[%get3A_29, %get3A_30] : memref<1x128xf32, #tpu.memory_space<vmem>>, vector<1x128xf32>
    %add3A_32 = vector.broadcast %get3A_31 : vector<1x128xf32> to vector<1000x128xf32>
    %add3A_33 = arith.addf %add3A_28, %add3A_32 : vector<1000x128xf32>
    %max3A_34 = arith.constant 0.000000e+00 : f32
    %max3A_35 = vector.broadcast %max3A_34 : f32 to vector<1000x128xf32>
    %max3A_36 = arith.maximumf %add3A_33, %max3A_35 : vector<1000x128xf32>
    %swap3A = arith.constant 0 : index
    %swap3A_37 = arith.constant 0 : index
    %swap3A_38 = vector.load %arg9[%swap3A, %swap3A_37] : memref<1000x128xf32, #tpu.memory_space<vmem>>, vector<1000x128xf32>
    tpu.vector_store %arg9[%swap3A, %swap3A_37], %max3A_36 {strides = array<i32>} : memref<1000x128xf32, #tpu.memory_space<vmem>>, vector<1000x128xf32>,
    return
  }
  func.func @transform_0(%arg0: i32) -> (i32, i32) {
    %c0_i32 = arith.constant 0 : i32
    %c0_i32_0 = arith.constant 0 : i32
    return %arg0, %c0_i32 : i32, i32
  }
  func.func @transform_1(%arg0: i32) -> (i32, i32) {
    %c0_i32 = arith.constant 0 : i32
    %c0_i32_0 = arith.constant 0 : i32
    return %arg0, %c0_i32 : i32, i32
  }
  func.func @transform_2(%arg0: i32) -> (i32, i32) {
    %c0_i32 = arith.constant 0 : i32
    %c0_i32_0 = arith.constant 0 : i32
    return %arg0, %c0_i32 : i32, i32
  }
  func.func @transform_3(%arg0: i32) -> (i32, i32) {
    %c0_i32 = arith.constant 0 : i32
    %c0_i32_0 = arith.constant 0 : i32
    return %arg0, %c0_i32 : i32, i32
  }
  func.func @transform_4(%arg0: i32) -> (i32, i32) {
    %c0_i32 = arith.constant 0 : i32
    %c0_i32_0 = arith.constant 0 : i32
    %c0_i32_1 = arith.constant 0 : i32
    return %c0_i32, %c0_i32_0 : i32, i32
  }
  func.func @transform_5(%arg0: i32) -> (i32, i32) {
    %c0_i32 = arith.constant 0 : i32
    %c0_i32_0 = arith.constant 0 : i32
    %c0_i32_1 = arith.constant 0 : i32
    return %c0_i32, %c0_i32_0 : i32, i32
  }
  func.func @transform_6(%arg0: i32) -> (i32, i32) {
    %c0_i32 = arith.constant 0 : i32
    %c0_i32_0 = arith.constant 0 : i32
    %c0_i32_1 = arith.constant 0 : i32
    return %c0_i32, %c0_i32_0 : i32, i32
  }
  func.func @transform_7(%arg0: i32) -> (i32, i32) {
    %c0_i32 = arith.constant 0 : i32
    %c0_i32_0 = arith.constant 0 : i32
    %c0_i32_1 = arith.constant 0 : i32
    return %c0_i32, %c0_i32_0 : i32, i32
  }
  func.func @transform_8(%arg0: i32) -> (i32, i32) {
    %c0_i32 = arith.constant 0 : i32
    %c0_i32_0 = arith.constant 0 : i32
    return %arg0, %c0_i32 : i32, i32
  }
}

</mosaic_0001>

<sc_bundles>
// kernel: kernel.5.cloned.1.call-start
scs
__scs_entry_jumppad:
0x0: {  	(pc) =	sbr.rel $0x88, $3  }
0x1: {  	(tag) =	ssettag $0x0;
	lr =	simm.s32 $0x1  }
0x2: {  	[smem:$0x3F9B] =	sst lr;
	_ =	strace $0xD0000000  }
0x3: {  	_ = 	snop  }
0x4: {  	_ = 	snop  }
0x5: {  	_ = 	snop  }
0x6: {  	_ = 	snop  }
0x7: {  	_ = 	snop  }
__scs_overlays_trampoline_lowered:
0x8: {  	[smem:$0x3FAA] =	sst s0  }
0x9: {  	[smem:$0x3FAB] =	sst s1  }
0xa: {  	[smem:$0x3FAC] =	sst s2  }
0xb: {  	[smem:$0x3FAD] =	sst s3  }
0xc: {  	[smem:$0x3FAE] =	sst s4  }
0xd: {  	[smem:$0x3FAF] =	sst s5  }
0xe: {  	[smem:$0x3FB0] =	sst s6  }
0xf: {  	[smem:$0x3FB1] =	sst s7  }
0x10: {  	[smem:$0x3FB2] =	sst s8  }
0x11: {  	[smem:$0x3FB3] =	sst s9;
	s0 =	simm.s32 @!p0 $0x0  }
0x12: {  	s1 =	sld [smem:$0x3F99];
	s0 =	simm.s32 @p0 $0x1  }
0x13: {  	[smem:$0x3FB4] =	sst s0;
	s0 =	simm.s32 @!p1 $0x0  }
0x14: {  	s2 =	sld [smem:$0x3F98];
	s0 =	simm.s32 @p1 $0x1  }
0x15: {  	[smem:$0x3FB5] =	sst s0;
	s0 =	simm.s32 @!p2 $0x0  }
0x16: {  	s3 =	sld [smem:$0x3FDB];
	s0 =	simm.s32 @p2 $0x1  }
0x17: {  	s4 =	simm.s32 $0x1BF5;
	[smem:$0x3FB7] =	sst s0  }
0x18: {  	s0 =	sld [smem:$0x3F9A];
	_ =	swait.ge [sflag:s4], $0x0  }
0x19: {  	s7 =	sld [smem:$0x3F9B]  }
0x1a: {  	s8 =	sadd.s32 $0xFFFFE003, lr  }
0x1b: {  	s9 =	sadd.s32 $0xFFFFFEF7, lr;
	s5 =	simm.s32 $0xFFFFFFFF;
	p2 =	slt.u32 s8, $0xFFFFF086  }
0x1c: {  	p1 =	slt.u32 s9, $0xF7A;
	s5 =	simm.s32 @!p2 $0x0  }
0x1d: {  	s5 =	simm.s32 @p1 $0x1;
	p0 =	seq.s32 s7, s2  }
0x1e: {  	s7 =	smul.u32 @!p0 $0xF7A, s2;
	p2 =	seq.s32 @!p0 s5, $0x0  }
0x1f: {  	s9 =	smul.u32 $0xF7A, s1;
	s8 =	simm.s32 @!p0 $0x1BF5;
	p2 =	por !p2, p0  }
0x20: {  	[sflag:s8] =	ssyncset.s32 @!p0 $0xFFFFF086;
	s6 =	sadd.s32 @!p0 s3, s7;
	s7 =	simm.s32 @!p0 $0x108  }
0x21: {  	s3 =	sadd.s32 s3, s9;
	s6 =	sadd.s32 @!p0 $0x88, s6;
	s7 =	simm.s32 @p2 $0x1082  }
0x22: {  	[simem:s7], [sflag:s8] =	dma.local @!p0 [hbm:s6], $0xF7A  }
0x23: {  	s9 =	sor.u32 $0xD0000000, s2;
	s6 =	simm.s32 $0x108;
	_ =	swait.ge @!p0 [sflag:s8], $0x0  }
0x24: {  	s3 =	sadd.s32 $0x88, s3;
	s6 =	simm.s32 @!p1 $0x1082;
	[sflag:s4] =	ssyncset.s32 $0xFFFFF086  }
0x25: {  	[simem:s6], [sflag:s4] =	dma.local [hbm:s3], $0xF7A  }
0x26: {  	[smem:$0x3F9B] =	sst s1;
	(tag) =	ssettag s2;
	_ =	strace s9  }
0x27: {  	s1 =	sld [smem:$0x3FAB]  }
0x28: {  	s2 =	sld [smem:$0x3FAC]  }
0x29: {  	s4 =	sld [smem:$0x3FAE]  }
0x2a: {  	p0 =	seq.s32 s5, $0x0;
	s5 =	sld [smem:$0x3FAF]  }
0x2b: {  	s6 =	sld [smem:$0x3FB0]  }
0x2c: {  	s7 =	sld [smem:$0x3FB1]  }
0x2d: {  	s3 =	simm.s32 $0x108;
	s8 =	sld [smem:$0x3FB2]  }
0x2e: {  	s3 =	simm.s32 @!p0 $0x1082;
	s9 =	sld [smem:$0x3FB3]  }
0x2f: {  	lr =	sadd.s32 s0, s3;
	s0 =	sld [smem:$0x3FAA]  }
0x30: {  	s3 =	sld [smem:$0x3FAD]  }
0x31: {  	[smem:$0x3FB6] =	sst s10  }
0x32: {  	s10 =	sld [smem:$0x3FB4];
	_ =	sdelay $0x3  }
0x33: {  	p0 =	seq.s32 s10, $0x1;
	s10 =	sld [smem:$0x3FB6];
	_ =	sdelay $0x3  }
0x34: {  	[smem:$0x3FB6] =	sst s10  }
0x35: {  	s10 =	sld [smem:$0x3FB5];
	_ =	sdelay $0x3  }
0x36: {  	p1 =	seq.s32 s10, $0x1;
	s10 =	sld [smem:$0x3FB6];
	_ =	sdelay $0x3  }
0x37: {  	[smem:$0x3FB6] =	sst s10  }
0x38: {  	s10 =	sld [smem:$0x3FB7]  }
0x39: {  	_ = 	snop;
	(pc) =	sbr.ind lr, $3  }
0x3a: {  	_ = 	snop  }
0x3b: {  	_ = 	snop  }
0x3c: {  	p2 =	seq.s32 s10, $0x1;
	s10 =	sld [smem:$0x3FB6]  }
0x3d: {  	_ =	shalt  }
0x3e: {  	_ =	shalt  }
0x3f: {  	_ =	shalt  }
0x40: {  	_ =	shalt  }
0x41: {  	_ =	shalt  }
0x42: {  	_ =	shalt  }
0x43: {  	_ =	shalt  }
0x44: {  	_ =	shalt  }
0x45: {  	_ =	shalt  }
0x46: {  	_ =	shalt  }
0x47: {  	_ =	shalt  }
0x48: {  	_ =	shalt  }
0x49: {  	_ =	shalt  }
0x4a: {  	_ =	shalt  }
0x4b: {  	_ =	shalt  }
0x4c: {  	_ =	shalt  }
0x4d: {  	_ =	shalt  }
0x4e: {  	_ =	shalt  }
0x4f: {  	_ =	shalt  }
0x50: {  	_ =	shalt  }
0x51: {  	_ =	shalt  }
0x52: {  	_ =	shalt  }
0x53: {  	_ =	shalt  }
0x54: {  	_ =	shalt  }
0x55: {  	_ =	shalt  }
0x56: {  	_ =	shalt  }
0x57: {  	_ =	shalt  }
0x58: {  	_ =	shalt  }
0x59: {  	_ =	shalt  }
0x5a: {  	_ =	shalt  }
0x5b: {  	_ =	shalt  }
0x5c: {  	_ =	shalt  }
0x5d: {  	_ =	shalt  }
0x5e: {  	_ =	shalt  }
0x5f: {  	_ =	shalt  }
0x60: {  	_ =	shalt  }
0x61: {  	_ =	shalt  }
0x62: {  	_ =	shalt  }
0x63: {  	_ =	shalt  }
0x64: {  	_ =	shalt  }
0x65: {  	_ =	shalt  }
0x66: {  	_ =	shalt  }
0x67: {  	_ =	shalt  }
0x68: {  	_ =	shalt  }
0x69: {  	_ =	shalt  }
0x6a: {  	_ =	shalt  }
0x6b: {  	_ =	shalt  }
0x6c: {  	_ =	shalt  }
0x6d: {  	_ =	shalt  }
0x6e: {  	_ =	shalt  }
0x6f: {  	_ =	shalt  }
0x70: {  	_ =	shalt  }
0x71: {  	_ =	shalt  }
0x72: {  	_ =	shalt  }
0x73: {  	_ =	shalt  }
0x74: {  	_ =	shalt  }
0x75: {  	_ =	shalt  }
0x76: {  	_ =	shalt  }
0x77: {  	_ =	shalt  }
0x78: {  	_ =	shalt  }
0x79: {  	_ =	shalt  }
0x7a: {  	_ =	shalt  }
0x7b: {  	_ =	shalt  }
0x7c: {  	_ =	shalt  }
0x7d: {  	_ =	shalt  }
0x7e: {  	_ =	shalt  }
0x7f: {  	_ =	shalt  }
0x80: {  	_ =	shalt  }
0x81: {  	_ =	shalt  }
0x82: {  	_ =	shalt  }
0x83: {  	_ =	shalt  }
0x84: {  	_ =	shalt  }
0x85: {  	_ =	shalt  }
0x86: {  	_ =	shalt  }
0x87: {  	_ =	shalt  }
.Lfunc_end0:
.L_simem_size_0:
called_computation_lowered:
.L_overlay_start_0:
0x88: {  	s2 =	sld [smem:$0x3FD9]  }
0x89: {  	s3 =	sld [smem:$0x3FFE];
	_ =	sdelay $0x1  }
0x8a: {  	s1 =	srdreg.scid  }
0x8b: {  	s0 =	sand.u32 $0x1, s1  }
0x8c: {  	s17 =	sshll.u32 s0, $0xA;
	s2 =	sadd.s32 s3, s2  }
0x8d: {  	s2 =	sadd.s32 s2, s17  }
0x8e: {  	[smem:$0x3FC2] =	sst s2  }
0x8f: {  	_ = 	snop  }
0x90: {  	s2 =	sld [smem:$0x3FC9]  }
0x91: {  	s18 =	sld [smem:$0x3FD0];
	(tm) =	ssettm $0x1  }
0x92: {  	s4 =	sld [smem:$0x3FFB];
	_ =	sdelay $0x3  }
0x93: {  	_ =	strace s4  }
0x94: {  	s4 =	sld [smem:$0x3FFC];
	_ =	sdelay $0x3  }
0x95: {  	_ =	strace s4  }
0x96: {  	s4 =	sld [smem:$0x3FFD];
	_ =	sdelay $0x3  }
0x97: {  	_ =	strace s4  }
0x98: {  	_ =	strace $0x8FFFFFFF  }
0x99: {  	s19 =	sld [smem:$0x3FDB];
	_ =	sdelay $0x1  }
0x9a: {  	s5 =	simm.s32 $_scs_section_size  }
0x9b: {  	s6 =	simm.s32 $_size__tile_overlayer_lowered;
	s7 =	simm.s32 $_tile_overlayer_lowered  }
0x9c: {  	s22 =	simm.s32 $0x1BFF;
	s21 =	sshll.u32 s7, $0x1;
	s4 =	sadd.s32 s5, s19  }
0x9d: {  	s8 =	simm.s32 $0x0;
	s20 =	sshll.u32 s6, $0x1;
	s6 =	sadd.s32 s21, s4  }
0x9e: {  	[timem:s8], [sflag:s22] =	dma.local [hbm:s6], s20  }
0x9f: {  	_ =	swait.ge [sflag:s22], s20  }
0xa0: {  	s5 =	ssub.s32 $0x0, s20;
	[sflag:s22] =	ssyncset.done $0x0  }
0xa1: {  	[sflag:s22] =	ssyncadd.s32 s5;
	_ =	sdelay $0x1  }
0xa2: {  	s23 =	simm.s32 $0x1B8B  }
0xa3: {  	_ =	swait.ge [sflag:s23], $0x1  }
0xa4: {  	[sflag:s23] =	ssyncset.done $0x0  }
0xa5: {  	s25 =	simm.s32 $0x1B8E;
	s24 =	sld [smem:$0x3FFE];
	[sflag:s23] =	ssyncadd.s32 $0xFFFFFFFF  }
0xa6: {  	s26 =	simm.s32 $execute0_lowered;
	[smem:$0x3FD2] =	sst s25  }
0xa7: {  	s6 =	sshll.u32 s26, $0x1;
	_ =	strace $0x80000046;
	[dreg:$0x1] =	wrdreg $0xFFFFFFFF  }
0xa8: {  	s28 =	simm.s32 $_size_execute0_lowered;
	s4 =	sadd.s32 s4, s6;
	[dreg:$0x0] =	wrdreg $0x0  }
0xa9: {  	s6 =	sshll.u32 s28, $0x1;
	[dreg:$0x2] =	wrdreg s4  }
0xaa: {  	[dreg:$0x3] =	wrdreg s6  }
0xab: {  	[dreg:$0x4] =	wrdreg $0xC0  }
0xac: {  	_ =	task [dreg:s8], $0x5FFFF  }
0xad: {  	[dreg:$0x1] =	wrdreg $0xFFFFFFFF  }
0xae: {  	[dreg:$0x0] =	wrdreg $0x60  }
0xaf: {  	[dreg:$0x2] =	wrdreg s2  }
0xb0: {  	[dreg:$0x3] =	wrdreg s24  }
0xb1: {  	[dreg:$0x4] =	wrdreg s18  }
0xb2: {  	[dreg:$0x5] =	wrdreg $0x91000  }
0xb3: {  	[dreg:$0x6] =	wrdreg $0x9  }
0xb4: {  	_ =	task.clear_ibuf [dreg:s8], $0x7FFFF;
	_ =	strace $0x90000046  }
0xb5: {  	s29 =	simm.s32 $0x9;
	_ =	strace $0x80000048  }
0xb6: {  	_ =	swait.ge [sflag:s29], $0x1  }
0xb7: {  	[sflag:s29] =	ssyncadd.s32 $0xFFFFFFFF  }
0xb8: {  	_ =	strace $0x90000048  }
0xb9: {  	_ =	sfence  }
0xba: {  	s30 =	sld [smem:$0x0];
	_ =	sdelay $0x2  }
0xbb: {  	s31 =	sshll.u32 s1, $0xD;
	s1 =	sshrl.u32 s1, $0x2  }
0xbc: {  	s3 =	sand.u32 $0x4000, s31;
	s1 =	sadd.s32 s1, s30  }
0xbd: {  	s0 =	sor.u32 s3, s0;
	s1 =	sshll.u32 s1, $0x11  }
0xbe: {  	s0 =	sor.u32 s1, s0  }
0xbf: {  	s0 =	sadd.s32 $0x8F2B, s0  }
0xc0: {  	[sflag:s0] =	ssyncadd.remote.s32 $0x1  }
0xc1: {  	_ =	sfence.sel $0xFFFF  }
0xc2: {  	[dreg:$0x0] =	wrdreg $0xFFFFFFFF;
	(pc) =	sbr.abs _section_cstart, $3  }
0xc3: {  	[dreg:$0x1] =	wrdreg $0xFFFFFFFF  }
0xc4: {  	_ =	task.clear_ibuf [dreg:s8], $0x2FFFF;
	_ =	strace $0x9FFFFFFF  }
0xc5: {  	(tm) =	ssettm $0x7FFFFFFF  }
tec
execute0_lowered:
.L_overlay_start_1:
0x0: {  	(tag) =	ssettag $0x1  }
0x1: {  	s1 =	rddreg [dreg:$0x0]  }
0x2: {  	s0 =	rddreg [dreg:$0x1]  }
0x3: {  	s4 =	rddreg [dreg:$0x2]  }
0x4: {  	s2 =	rddreg [dreg:$0x3];
	s3 =	simm.s32 $0x0;
	s5 =	srdreg.scid  }
0x5: {  	s15 =	stileid.u32;
	s18 =	simm.s32 $0x5;
	s19 =	simm.s32 $0x6900  }
0x6: {  	s20 =	simm.s32 $0x50;
	s21 =	simm.s32 $0x4100;
	s22 =	simm.s32 $0x80  }
0x7: {  	s23 =	simm.s32 $0x1;
	s24 =	simm.s32 $0x4;
	s25 =	simm.s32 $0x2  }
0x8: {  	s30 =	simm.s32 $0x3F00;
	s31 =	simm.s32 $0x0;
	[smem:$0x7FF] =	sst s3  }
0x9: {  	s9 =	sand.u32 $0x1, s5;
	s5 =	sadd.s32 $0xE00, s0;
	s29 =	smul.u32 $0x4E20, s15  }
0xa: {  	s6 =	sadd.s32 $0xAC00, s0;
	s10 =	sshll.u32 s15, $0x1;
	s13 =	smul.u32 $0xA000, s15  }
0xb: {  	p0 =	slt.u32 s15, $0xD;
	s16 =	smul.u32 $0x500, s15;
	_ =	strace $0x80000047  }
0xc: {  	s7 =	smul.u32 $0x27100, s9;
	s8 =	ssub.s32 $0x2, s9;
	s10 =	sor.u32 s9, s10  }
0xd: {  	s12 =	smul.u32 $0x2710, s9;
	s26 =	sshrl.u32 s8, $0x1;
	s28 =	sshll.u32 s10, $0xB  }
0xe: {  	s10 =	smul.u32 $0x2710, s10;
	s13 =	sshrl.u32 s13, $0x2;
	s0 =	sadd.s32 s7, s0  }
0xf: {  	s11 =	ssub.s32 s8, s26;
	s7 =	sadd.s32 s4, s28;
	s8 =	simm.s32 $0x8  }
0x10: {  	s4 =	sadd.s32 s12, s29;
	s13 =	sadd.s32 s13, s2;
	s26 =	simm.s32 $0x3  }
0x11: {  	s10 =	sshrl.u32 s10, $0x3;
	s8 =	simm.s32 @!p0 $0x7;
	s11 =	smax.u32 s11, $0x1  }
0x12: {  	s14 =	sadd.s32 $0xF0, s4;
	s17 =	sadd.s32 $0xA0, s4;
	s0 =	sadd.s32 s16, s0  }
0x13: {  	s9 =	sadd.s32 s5, s10;
	s14 =	sshrl.u32 s14, $0x3;
	s16 =	sadd.s32 $0xB200, s0  }
0x14: {  	s10 =	sadd.s32 $0xA, s9;
	s12 =	sadd.s32 $0x4D8, s9;
	s15 =	sadd.s32 s14, s5  }
.LBB2_1:
0x15: {  	s0 =	simm.s32 $0x100  }
0x16: {  	[tilespmem:s0], [sflag:$0x5] =	stream.linear.gather [hbm4b:s7+s3], $0x3E80, $0x38;
	[tilespmem:$0x1C980] =	vst v63  }
0x17: {  	_ =	swait.ge [sflag:s18], $0x3E80  }
0x18: {  	[sflag:s18] =	ssyncset.done $0x0  }
0x19: {  	[sflag:s18] =	ssyncadd.s32 $0xFFFFC180  }
0x1a: {  	[tilespmem:s19], [sflag:$0x5] =	stream.linear.gather [hbm4b:s6+s3], $0x2800, $0x38;
	[tilespmem:$0x1C980] =	vst v63  }
0x1b: {  	p0 =	sne.s32 s8, $0x1;
	_ =	swait.ge [sflag:s18], $0x2800  }
.Ltmp0:
0x1c: {  	[sflag:s18] =	ssyncset.done $0x0;
	(pc) =	sbr.rel @!p0 .LBB2_3-.Ltmp0, $4  }
0x1d: {  	[sflag:s18] =	ssyncadd.s32 $0xFFFFD800  }
0x1e: {  	[spmem:s13] =	stream.linear.scatter [tilespmem:s19], [sflag:$0x5], $0x2800, $0x38;
	[tilespmem:$0x1C980] =	vst v63  }
0x1f: {  	_ =	swait.ge [sflag:s18], $0x2800  }
0x20: {  	s4 =	smov.u32 s13;
	s0 =	sadd.s32 $0xFFFFFFFF, s8;
	[sflag:s18] =	ssyncset.done $0x0  }
.LBB2_2:
0x21: {  	p1 =	sne.s32 s0, $0x1;
	[sflag:s18] =	ssyncadd.s32 $0xFFFFD800;
	s4 =	sadd.s32 $0x28000, s4  }
.Ltmp1:
0x22: {  	s0 =	sadd.s32 $0xFFFFFFFF, s0;
	(pc) =	sbr.rel @p1 .LBB2_2-.Ltmp1, $4  }
0x23: {  	_ = 	snop  }
0x24: {  	[spmem:s4] =	stream.linear.scatter [tilespmem:s19], [sflag:$0x5], $0x2800, $0x38;
	[tilespmem:$0x1C980] =	vst v63  }
0x25: {  	_ =	swait.ge [sflag:s18], $0x2800  }
0x26: {  	[sflag:s18] =	ssyncset.done $0x0  }
.LBB2_3:
0x27: {  	[sflag:s18] =	ssyncadd.s32 $0xFFFFD800  }
0x28: {  	s0 =	simm.s32 $0x0;
	[bflag:$0x0] =	sbarrier.arrive $0xFFFF  }
0x29: {  	[tilespmem:s0], [sflag:$0x5] =	stream.linear.gather [hbm4b:s9+s0], $0x50, $0x38;
	[tilespmem:$0x1C980] =	vst v63  }
0x2a: {  	_ =	swait.ge [sflag:s18], $0x50  }
0x2b: {  	[sflag:s18] =	ssyncset.done $0x0  }
0x2c: {  	[sflag:s18] =	ssyncadd.s32 $0xFFFFFFB0  }
0x2d: {  	[tilespmem:s21], [sflag:$0x1] =	stream.indirect.gather [hbm4b:s1+s20], $0x80, s0, s20, $0xb8;
	[tilespmem:$0x1C980] =	vst v63  }
0x2e: {  	_ = 	snop  }
0x2f: {  	[tilespmem:s22], [sflag:$0x4] =	stream.linear.gather [hbm4b:s10+s0], $0x50, $0x38;
	[tilespmem:$0x1C980] =	vst v63  }
0x30: {  	_ =	swait.ge [sflag:s23], $0x2800  }
0x31: {  	[sflag:s23] =	ssyncset.done $0x0  }
0x32: {  	[sflag:s23] =	ssyncadd.s32 $0xFFFFD800  }
0x33: {  	_ =	swait.ge [sflag:s24], $0x50  }
0x34: {  	[sflag:s24] =	ssyncset.done $0x0  }
0x35: {  	s14 =	sshrl.u32 s17, $0x3;
	[sflag:s24] =	ssyncadd.s32 $0xFFFFFFB0  }
0x36: {  	[tilespmem:s19], [sflag:$0x2] =	stream.indirect.gather [hbm4b:s1+s20], $0x80, s22, s20, $0xb8;
	[tilespmem:$0x1C980] =	vst v63  }
0x37: {  	s0 =	sadd.s32 s5, s14  }
0x38: {  	[tilespmem:s3], [sflag:$0x3] =	stream.linear.gather [hbm4b:s0+s3], $0x50, $0x38;
	[tilespmem:$0x1C980] =	vst v63  }
0x39: {  	s28 =	simm.s32 $0x100  }
0x3a: {  	[spmem:s2] =	stream.indirect.scatter.add.f32 [tilespmem:s21], [sflag:$0x5], $0x80, s28, s20, $0xb8;
	[tilespmem:$0x1C980] =	vst v63  }
0x3b: {  	_ =	swait.ge [sflag:s18], $0x2800  }
0x3c: {  	[sflag:s18] =	ssyncset.done $0x0  }
0x3d: {  	[sflag:s18] =	ssyncadd.s32 $0xFFFFD800  }
0x3e: {  	_ =	swait.ge [sflag:s25], $0x2800  }
0x3f: {  	[sflag:s25] =	ssyncset.done $0x0  }
0x40: {  	[sflag:s25] =	ssyncadd.s32 $0xFFFFD800  }
0x41: {  	_ =	swait.ge [sflag:s26], $0x50  }
0x42: {  	[sflag:s26] =	ssyncset.done $0x0  }
0x43: {  	[sflag:s26] =	ssyncadd.s32 $0xFFFFFFB0  }
0x44: {  	[tilespmem:s21], [sflag:$0x1] =	stream.indirect.gather [hbm4b:s1+s20], $0x80, s3, s20, $0xb8;
	[tilespmem:$0x1C980] =	vst v63  }
0x45: {  	s29 =	sadd.s32 $0x0, s15  }
0x46: {  	[tilespmem:s22], [sflag:$0x4] =	stream.linear.gather [hbm4b:s29+s3], $0x50, $0x38;
	[tilespmem:$0x1C980] =	vst v63  }
0x47: {  	s0 =	simm.s32 $0x180  }
0x48: {  	[spmem:s2] =	stream.indirect.scatter.add.f32 [tilespmem:s19], [sflag:$0x5], $0x80, s0, s20, $0xb8;
	[tilespmem:$0x1C980] =	vst v63  }
0x49: {  	_ =	swait.ge [sflag:s18], $0x2800  }
0x4a: {  	s4 =	simm.s32 $0x14;
	s14 =	smov.u32 s17;
	[sflag:s18] =	ssyncset.done $0x0  }
.LBB2_4:
0x4b: {  	[sflag:s18] =	ssyncadd.s32 $0xFFFFD800;
	s0 =	sadd.s32 $0x100, s0;
	s14 =	sadd.s32 $0xA0, s14  }
0x4c: {  	p1 =	sne.s32 s4, $0x4B0;
	s28 =	smov.u32 s4;
	s4 =	sadd.s32 $0x14, s4  }
0x4d: {  	_ =	swait.ge [sflag:s23], $0x2800  }
0x4e: {  	[sflag:s23] =	ssyncset.done $0x0  }
0x4f: {  	[sflag:s23] =	ssyncadd.s32 $0xFFFFD800  }
0x50: {  	_ =	swait.ge [sflag:s24], $0x50  }
0x51: {  	[sflag:s24] =	ssyncset.done $0x0  }
0x52: {  	s29 =	sshrl.u32 s14, $0x3;
	[sflag:s24] =	ssyncadd.s32 $0xFFFFFFB0  }
0x53: {  	[tilespmem:s19], [sflag:$0x2] =	stream.indirect.gather [hbm4b:s1+s20], $0x80, s22, s20, $0xb8;
	[tilespmem:$0x1C980] =	vst v63  }
0x54: {  	s29 =	sadd.s32 s5, s29  }
0x55: {  	[tilespmem:s3], [sflag:$0x3] =	stream.linear.gather [hbm4b:s29+s3], $0x50, $0x38;
	[tilespmem:$0x1C980] =	vst v63  }
0x56: {  	s29 =	sadd.s32 $0xFFFFFF80, s0  }
0x57: {  	[spmem:s2] =	stream.indirect.scatter.add.f32 [tilespmem:s21], [sflag:$0x5], $0x80, s29, s20, $0xb8;
	[tilespmem:$0x1C980] =	vst v63  }
0x58: {  	_ =	swait.ge [sflag:s18], $0x2800  }
0x59: {  	[sflag:s18] =	ssyncset.done $0x0  }
0x5a: {  	[sflag:s18] =	ssyncadd.s32 $0xFFFFD800  }
0x5b: {  	_ =	swait.ge [sflag:s25], $0x2800  }
0x5c: {  	[sflag:s25] =	ssyncset.done $0x0  }
0x5d: {  	[sflag:s25] =	ssyncadd.s32 $0xFFFFD800  }
0x5e: {  	_ =	swait.ge [sflag:s26], $0x50  }
0x5f: {  	[sflag:s26] =	ssyncset.done $0x0  }
0x60: {  	[sflag:s26] =	ssyncadd.s32 $0xFFFFFFB0  }
0x61: {  	[tilespmem:s21], [sflag:$0x1] =	stream.indirect.gather [hbm4b:s1+s20], $0x80, s3, s20, $0xb8;
	[tilespmem:$0x1C980] =	vst v63  }
0x62: {  	s28 =	sadd.s32 s28, s15  }
0x63: {  	[tilespmem:s22], [sflag:$0x4] =	stream.linear.gather [hbm4b:s28+s3], $0x50, $0x38;
	[tilespmem:$0x1C980] =	vst v63  }
.Ltmp2:
0x64: {  	_ = 	snop;
	(pc) =	sbr.rel @p1 .LBB2_4-.Ltmp2, $4  }
0x65: {  	_ = 	snop  }
0x66: {  	[spmem:s2] =	stream.indirect.scatter.add.f32 [tilespmem:s19], [sflag:$0x5], $0x80, s0, s20, $0xb8;
	[tilespmem:$0x1C980] =	vst v63  }
0x67: {  	_ =	swait.ge [sflag:s18], $0x2800  }
0x68: {  	[sflag:s18] =	ssyncset.done $0x0  }
0x69: {  	[sflag:s18] =	ssyncadd.s32 $0xFFFFD800  }
0x6a: {  	_ =	swait.ge [sflag:s23], $0x2800  }
0x6b: {  	[sflag:s23] =	ssyncset.done $0x0  }
0x6c: {  	[sflag:s23] =	ssyncadd.s32 $0xFFFFD800  }
0x6d: {  	_ =	swait.ge [sflag:s24], $0x50  }
0x6e: {  	[sflag:s24] =	ssyncset.done $0x0  }
0x6f: {  	[sflag:s24] =	ssyncadd.s32 $0xFFFFFFB0  }
0x70: {  	[tilespmem:s19], [sflag:$0x2] =	stream.indirect.gather [hbm4b:s1+s20], $0x80, s22, s20, $0xb8;
	[tilespmem:$0x1C980] =	vst v63  }
0x71: {  	_ = 	snop  }
0x72: {  	[tilespmem:s3], [sflag:$0x3] =	stream.linear.gather [hbm4b:s12+s3], $0x50, $0x38;
	[tilespmem:$0x1C980] =	vst v63  }
0x73: {  	s0 =	simm.s32 $0x3E00  }
0x74: {  	[spmem:s2] =	stream.indirect.scatter.add.f32 [tilespmem:s21], [sflag:$0x5], $0x80, s0, s20, $0xb8;
	[tilespmem:$0x1C980] =	vst v63  }
0x75: {  	_ =	swait.ge [sflag:s18], $0x2800  }
0x76: {  	[sflag:s18] =	ssyncset.done $0x0  }
0x77: {  	[sflag:s18] =	ssyncadd.s32 $0xFFFFD800  }
0x78: {  	_ =	swait.ge [sflag:s25], $0x2800  }
0x79: {  	[sflag:s25] =	ssyncset.done $0x0  }
0x7a: {  	[sflag:s25] =	ssyncadd.s32 $0xFFFFD800  }
0x7b: {  	_ =	swait.ge [sflag:s26], $0x50  }
0x7c: {  	[sflag:s26] =	ssyncset.done $0x0  }
0x7d: {  	[sflag:s26] =	ssyncadd.s32 $0xFFFFFFB0  }
0x7e: {  	[tilespmem:s21], [sflag:$0x1] =	stream.indirect.gather [hbm4b:s1+s20], $0x80, s3, s20, $0xb8;
	[tilespmem:$0x1C980] =	vst v63  }
0x7f: {  	_ = 	snop  }
0x80: {  	[tilespmem:s22], [sflag:$0x4] =	stream.linear.gather [hbm4b:s12+s3], $0x50, $0x38;
	[tilespmem:$0x1C980] =	vst v63  }
0x81: {  	s29 =	simm.s32 $0x3E80  }
0x82: {  	[spmem:s2] =	stream.indirect.scatter.add.f32 [tilespmem:s19], [sflag:$0x5], $0x80, s29, s20, $0xb8;
	[tilespmem:$0x1C980] =	vst v63  }
0x83: {  	_ =	swait.ge [sflag:s18], $0x2800  }
0x84: {  	[sflag:s18] =	ssyncset.done $0x0  }
0x85: {  	[sflag:s18] =	ssyncadd.s32 $0xFFFFD800  }
0x86: {  	_ =	swait.ge [sflag:s23], $0x2800  }
0x87: {  	[sflag:s23] =	ssyncset.done $0x0  }
0x88: {  	[sflag:s23] =	ssyncadd.s32 $0xFFFFD800  }
0x89: {  	[spmem:s2] =	stream.indirect.scatter.add.f32 [tilespmem:s21], [sflag:$0x5], $0x80, s30, s20, $0xb8;
	[tilespmem:$0x1C980] =	vst v63  }
0x8a: {  	_ =	swait.ge [sflag:s18], $0x2800  }
0x8b: {  	[sflag:s18] =	ssyncset.done $0x0  }
0x8c: {  	[sflag:s18] =	ssyncadd.s32 $0xFFFFD800  }
0x8d: {  	_ =	swait.ge [sflag:s24], $0x50  }
0x8e: {  	[sflag:s24] =	ssyncset.done $0x0  }
0x8f: {  	[sflag:s24] =	ssyncadd.s32 $0xFFFFFFB0  }
0x90: {  	[bflag:$0x0] =	sbarrier.arrive $0xFFFF  }
0x91: {  	[tilespmem:s21], [sflag:$0x5] =	stream.linear.gather [spmem:s13], $0x2800, $0x38;
	[tilespmem:$0x1C980] =	vst v63  }
0x92: {  	_ =	swait.ge [sflag:s18], $0x2800  }
.Ltmp3:
0x93: {  	[sflag:s18] =	ssyncset.done $0x0;
	(pc) =	sbr.rel @!p0 .LBB2_7-.Ltmp3, $4  }
0x94: {  	[sflag:s18] =	ssyncadd.s32 $0xFFFFD800  }
0x95: {  	[hbm4b:s16+s3] =	stream.linear.scatter [tilespmem:s21], [sflag:$0x5], $0x2800, $0x38;
	[tilespmem:$0x1C980] =	vst v63  }
0x96: {  	s4 =	smov.u32 s13;
	_ =	swait.ge [sflag:s18], $0x2800  }
0x97: {  	s14 =	smov.u32 s16;
	s0 =	sadd.s32 $0xFFFFFFFF, s8;
	[sflag:s18] =	ssyncset.done $0x0  }
.LBB2_6:
0x98: {  	[sflag:s18] =	ssyncadd.s32 $0xFFFFD800;
	s4 =	sadd.s32 $0x28000, s4;
	s14 =	sadd.s32 $0x5000, s14  }
0x99: {  	[tilespmem:s21], [sflag:$0x5] =	stream.linear.gather [spmem:s4], $0x2800, $0x38;
	[tilespmem:$0x1C980] =	vst v63  }
0x9a: {  	p0 =	sne.s32 s0, $0x1;
	s0 =	sadd.s32 $0xFFFFFFFF, s0;
	_ =	swait.ge [sflag:s18], $0x2800  }
.Ltmp4:
0x9b: {  	[sflag:s18] =	ssyncset.done $0x0;
	(pc) =	sbr.rel @p0 .LBB2_6-.Ltmp4, $4  }
0x9c: {  	[sflag:s18] =	ssyncadd.s32 $0xFFFFD800  }
0x9d: {  	[hbm4b:s14+s3] =	stream.linear.scatter [tilespmem:s21], [sflag:$0x5], $0x2800, $0x38;
	[tilespmem:$0x1C980] =	vst v63  }
0x9e: {  	_ =	swait.ge [sflag:s18], $0x2800  }
0x9f: {  	[sflag:s18] =	ssyncset.done $0x0  }
.LBB2_7:
0xa0: {  	s31 =	sadd.s32 $0x1, s31  }
0xa1: {  	p0 =	sne.s32 s31, s11  }
.Ltmp5:
0xa2: {  	_ = 	snop;
	(pc) =	sbr.rel @p0 .LBB2_1-.Ltmp5, $2  }
0xa3: {  	_ =	sdelay $0x2  }
0xa4: {  	[sflag:s18] =	ssyncadd.s32 $0xFFFFD800  }
0xa5: {  	_ =	sfence.sel $0x180000  }
0xa6: {  	[bflag:$0x0] =	sbarrier.arrive $0xFFFF  }
0xa7: {  	_ =	strace $0x90000047  }
0xa8: {  	s0 =	stileid.u32;
	[bflag:$0x2] =	sbarrier.arrive $0xFFFF  }
0xa9: {  	p0 =	sne.s32 s0, $0x0;
	s0 =	rddreg [dreg:$0x4]  }
0xaa: {  	s0 =	sadd.s32 @!p0 $0x100000, s0  }
0xab: {  	[sflag:s0] =	ssyncadd.tile.s32 @!p0 $0x1;
	_ =	shalt  }
.Lfunc_end2:
_tile_overlayer_lowered:
.L_overlay_start_2:
0xac: {  	(tag) =	ssettag $0x2  }
0xad: {  	s0 =	rddreg [dreg:$0x0];
	s2 =	stileid.u32  }
0xae: {  	s1 =	rddreg [dreg:$0x1];
	p0 =	sne.s32 s2, $0x0  }
0xaf: {  	s3 =	rddreg [dreg:$0x2];
	[bflag:$0x3] =	sbarrier.arrive $0xFFFF;
	s2 =	simm.s32 @!p0 $0x1C05  }
0xb0: {  	[timem:s3], [sflag:s2] =	dma.local @!p0 [hbm:s0], s1  }
0xb1: {  	s0 =	simm.s32 @!p0 $0x5  }
0xb2: {  	_ =	swait.ge @!p0 [sflag:s0], s1  }
0xb3: {  	s1 =	ssub.s32 @!p0 $0x0, s1;
	[sflag:s0] =	ssyncset.done @!p0 $0x0  }
0xb4: {  	[sflag:s0] =	ssyncadd.s32 @!p0 s1  }
0xb5: {  	[bflag:$0x3] =	sbarrier.arrive $0xFFFF  }
0xb6: {  	_ =	shalt  }

</sc_bundles>
